<compile_context>
chip_gen: v7x
topology: tpu7x:2x2x1
jax: 0.10.2.dev20260603
libtpu: 0.0.44.dev20260713+nightly
codegen_flags: <defaults>
</compile_context>

<pallas_src>
import functools

import jax
import jax.numpy as jnp
from jax import lax
from jax.experimental import pallas as pl
from jax.experimental.pallas import tpu as pltpu
from jax.experimental.pallas import tpu_sc as plsc

_B = 16384
_D = 16
_CHUNK = 128
_BM = 4096


def _make_sc_gather():
  info = plsc.get_sparse_core_info()
  nw = info.num_cores * info.num_subcores
  b_per_w = _B // nw
  n_chunks = b_per_w // _CHUNK
  halves = _BM // b_per_w
  mesh = plsc.VectorSubcoreMesh(core_axis_name="c", subcore_axis_name="s")

  @functools.partial(
      pl.kernel,
      mesh=mesh,
      out_type=[
          jax.ShapeDtypeStruct((_B // 8, 8 * _D), jnp.float32),
          jax.ShapeDtypeStruct((_B // 8, 8 * _D), jnp.float32),
      ],
      scratch_types=[
          pltpu.VMEM((b_per_w,), jnp.int32),
          pltpu.VMEM((b_per_w,), jnp.int32),
          pltpu.VMEM((b_per_w, _D), jnp.float32),
          pltpu.VMEM((b_per_w, _D), jnp.float32),
          pltpu.SemaphoreType.DMA,
          [pltpu.SemaphoreType.DMA] * (_B // (32 * _CHUNK)),
      ],
      compiler_params=pltpu.CompilerParams(use_tc_tiling_on_sc=False),
  )
  def sc_gather(ctab, gtab, cidx, gidx, cout, gout,
                cidx_v, gidx_v, crow_v, grow_v, out_sem, chunk_sems):
    wid = lax.axis_index("s") * info.num_cores + lax.axis_index("c")
    base = wid * b_per_w
    idx_in = [
        pltpu.async_copy(cidx.at[pl.ds(base, b_per_w)], cidx_v, out_sem),
        pltpu.async_copy(gidx.at[pl.ds(base, b_per_w)], gidx_v, out_sem),
    ]
    for cp in idx_in:
      cp.wait()
    gathers = []
    for j in range(n_chunks):
      sl = pl.ds(j * _CHUNK, _CHUNK)
      gathers.append(pltpu.async_copy(
          ctab.at[cidx_v.at[sl]], crow_v.at[sl], chunk_sems[j]))
      gathers.append(pltpu.async_copy(
          gtab.at[gidx_v.at[sl]], grow_v.at[sl], chunk_sems[j]))
    slab = _BM // 8
    outs = []
    for j in range(n_chunks):
      sl = pl.ds(j * _CHUNK, _CHUNK)
      t = wid * n_chunks + j
      r = (t * _CHUNK) % _BM
      row0 = ((t * _CHUNK) // _BM) * slab + r % slab
      lane0 = (r // slab) * _D
      gathers[2 * j].wait()
      gathers[2 * j + 1].wait()
      outs.append(pltpu.async_copy(
          crow_v.at[sl],
          cout.at[pl.ds(row0, _CHUNK), pl.ds(lane0, _D)], out_sem))
      outs.append(pltpu.async_copy(
          grow_v.at[sl],
          gout.at[pl.ds(row0, _CHUNK), pl.ds(lane0, _D)], out_sem))
    for cp in outs:
      cp.wait()

  return sc_gather


_SC_GATHER_CACHE = []


def _sc_gather(*args):
  if not _SC_GATHER_CACHE:
    _SC_GATHER_CACHE.append(_make_sc_gather())
  return _SC_GATHER_CACHE[0](*args)


def _mlp_body(wt_ref, cr_ref, c_ref, g_ref, w1_ref, b1_ref, w2_ref, b2_ref,
              out_ref):
  w1cg = w1_ref[2:2 + 2 * _D, :]
  w1wt = w1_ref[0:1, :]
  w1cr = w1_ref[1:2, :]
  b1 = jnp.reshape(b1_ref[...], (1, 256))
  w2 = w2_ref[...]
  b2 = jnp.reshape(b2_ref[...], (1, 128))
  c8 = c_ref[...]
  g8 = g_ref[...]
  cg = jnp.concatenate(
      [jnp.concatenate([c8[:, k * _D:(k + 1) * _D],
                        g8[:, k * _D:(k + 1) * _D]], axis=1)
       for k in range(8)], axis=0)
  pre = jnp.dot(cg.astype(jnp.bfloat16), w1cg.astype(jnp.bfloat16),
                preferred_element_type=jnp.float32)
  pre += jnp.reshape(wt_ref[...], (_BM, 1)) * w1wt
  pre += jnp.reshape(cr_ref[...], (_BM, 1)) * w1cr
  pre += b1
  h = jnp.maximum(pre, 0.0)
  emb = jnp.dot(h.astype(jnp.bfloat16), w2.astype(jnp.bfloat16),
                preferred_element_type=jnp.float32)
  emb += b2
  n2 = jnp.sum(emb * emb, axis=1, keepdims=True)
  out_ref[...] = emb * jax.lax.rsqrt(jnp.maximum(n2, 1e-24))


def _mlp(wt, cr, c, g, w1, b1, w2, b2):
  grid = (_B // _BM,)
  return pl.pallas_call(
      _mlp_body,
      grid=grid,
      in_specs=[
          pl.BlockSpec((_BM,), lambda i: (i,)),
          pl.BlockSpec((_BM,), lambda i: (i,)),
          pl.BlockSpec((_BM // 8, 8 * _D), lambda i: (i, 0)),
          pl.BlockSpec((_BM // 8, 8 * _D), lambda i: (i, 0)),
          pl.BlockSpec((2 + 2 * _D, 256), lambda i: (0, 0)),
          pl.BlockSpec((256,), lambda i: (0,)),
          pl.BlockSpec((256, 128), lambda i: (0, 0)),
          pl.BlockSpec((128,), lambda i: (0,)),
      ],
      out_specs=pl.BlockSpec((_BM, 128), lambda i: (i, 0)),
      out_shape=jax.ShapeDtypeStruct((_B, 128), jnp.float32),
      compiler_params=pltpu.CompilerParams(
          dimension_semantics=("parallel",)),
  )(wt, cr, c, g, w1, b1, w2, b2)


def kernel(watch_time, completion_rate, country_idx, fav_genre_idx,
           country_table, genre_table, W1, b1, W2, b2):
  cidx = country_idx.astype(jnp.int32)
  gidx = fav_genre_idx.astype(jnp.int32)
  c8, g8 = _sc_gather(country_table, genre_table, cidx, gidx)
  return _mlp(watch_time, completion_rate, c8, g8, W1, b1, W2, b2)

# --- scband reference (transcript-rebuilt; emitter-appended) ---
"""Pipeline reference for scband-user-tower-51505247814396 (READ-ONLY COPY).

The authoritative reference and input builder live on the scoring server;
editing this copy changes nothing except your own understanding.
"""

import jax, jax.numpy as jnp
import numpy as np

B = 16384
N_COUNTRIES = 1000
N_GENRES = 1000
EMBED_DIM = 128

def setup_inputs(seed: int = 0) -> dict:
    key = jax.random.key(seed)
    ks = jax.random.split(key, 10)
    watch_time = jax.random.uniform(ks[0], (B,), dtype=jnp.float32)
    completion_rate = jax.random.uniform(ks[1], (B,), dtype=jnp.float32)
    country_idx = jax.random.randint(ks[2], (B,), 0, N_COUNTRIES)
    fav_genre_idx = jax.random.randint(ks[3], (B,), 0, N_GENRES)
    country_table = jax.random.normal(ks[4], (N_COUNTRIES, 16), dtype=jnp.float32)
    genre_table = jax.random.normal(ks[5], (N_GENRES, 16), dtype=jnp.float32)
    W1 = jax.random.normal(ks[6], (2 + 32, 256), dtype=jnp.float32) * 0.1
    b1 = jnp.zeros((256,), dtype=jnp.float32)
    W2 = jax.random.normal(ks[7], (256, EMBED_DIM), dtype=jnp.float32) * 0.1
    b2 = jnp.zeros((EMBED_DIM,), dtype=jnp.float32)
    return {
        "watch_time": watch_time,
        "completion_rate": completion_rate,
        "country_idx": country_idx,
        "fav_genre_idx": fav_genre_idx,
        "country_table": country_table,
        "genre_table": genre_table,
        "W1": W1,
        "b1": b1,
        "W2": W2,
        "b2": b2,
    }

def reference(watch_time, completion_rate, country_idx, fav_genre_idx, country_table, genre_table, W1, b1, W2, b2):
    c = jnp.take(country_table, country_idx, axis=0)
    g = jnp.take(genre_table, fav_genre_idx, axis=0)
    cat = jnp.concatenate([c, g], axis=-1)
    x = jnp.concatenate([watch_time[:, None], completion_rate[:, None], cat], axis=-1)
    h = jax.nn.relu(x @ W1 + b1)
    emb = h @ W2 + b2
    norm = jnp.linalg.norm(emb, axis=-1, keepdims=True)
    return emb / jnp.maximum(norm, 1e-12)

if __name__ == "__main__":
    import jax
    _d = setup_inputs()
    print(jax.jit(kernel)(*tuple(_d.values())))

</pallas_src>

<mosaic_0001>
#map = affine_map<(d0, d1) -> (0, 0)>
#map1 = affine_map<(d0, d1) -> (0)>
module attributes {stable_mosaic.version = 14 : i64} {
  func.func @sc_gather(%arg0: i32, %arg1: i32, %arg2: memref<1000x16xf32, #tpu.memory_space<hbm>>, %arg3: memref<1000x16xf32, #tpu.memory_space<hbm>>, %arg4: memref<16384xi32, #tpu.memory_space<hbm>>, %arg5: memref<16384xi32, #tpu.memory_space<hbm>>, %arg6: memref<2048x128xf32, #tpu.memory_space<hbm>>, %arg7: memref<2048x128xf32, #tpu.memory_space<hbm>>, %arg8: memref<512xi32, #tpu.memory_space<vmem>>, %arg9: memref<512xi32, #tpu.memory_space<vmem>>, %arg10: memref<512x16xf32, #tpu.memory_space<vmem>>, %arg11: memref<512x16xf32, #tpu.memory_space<vmem>>, %arg12: memref<!tpu.dma_semaphore, #tpu.memory_space<semaphore_mem>>, %arg13: memref<!tpu.dma_semaphore, #tpu.memory_space<semaphore_mem>>, %arg14: memref<!tpu.dma_semaphore, #tpu.memory_space<semaphore_mem>>, %arg15: memref<!tpu.dma_semaphore, #tpu.memory_space<semaphore_mem>>, %arg16: memref<!tpu.dma_semaphore, #tpu.memory_space<semaphore_mem>>) attributes {dimension_semantics = [#tpu.dimension_semantics<core_parallel>, #tpu.dimension_semantics<subcore_parallel>], iteration_bounds = array<i64: 2, 16>, scalar_prefetch = 0 : i64, scratch_operands = 9 : i64, tpu.core_type = #tpu.core_type<sc_vector_subcore>, window_params = [{transform_indices = #map}, {transform_indices = #map}, {transform_indices = #map1}, {transform_indices = #map1}, {transform_indices = #map}, {transform_indices = #map}]} {
    %mul3A = arith.constant 2 : i32
    %mul3A_0 = arith.muli %arg1, %mul3A : i32
    %add3A = arith.addi %mul3A_0, %arg0 : i32
    %mul3A_1 = arith.constant 512 : i32
    %mul3A_2 = arith.muli %add3A, %mul3A_1 : i32
    %dma_start3A = tpu.memref_slice %arg4[%mul3A_2] : memref<16384xi32, #tpu.memory_space<hbm>> -> memref<512xi32, #tpu.memory_space<hbm>>
    %dma_start3A_3 = tpu.memref_slice %arg4[%mul3A_2] : memref<16384xi32, #tpu.memory_space<hbm>> -> memref<512xi32, #tpu.memory_space<hbm>>
    tpu.enqueue_dma source(%dma_start3A_3 : memref<512xi32, #tpu.memory_space<hbm>>) target(%arg8 : memref<512xi32, #tpu.memory_space<vmem>>) target_semaphore(%arg12 : memref<!tpu.dma_semaphore, #tpu.memory_space<semaphore_mem>>)
    %dma_start3A_4 = tpu.memref_slice %arg5[%mul3A_2] : memref<16384xi32, #tpu.memory_space<hbm>> -> memref<512xi32, #tpu.memory_space<hbm>>
    %dma_start3A_5 = tpu.memref_slice %arg5[%mul3A_2] : memref<16384xi32, #tpu.memory_space<hbm>> -> memref<512xi32, #tpu.memory_space<hbm>>
    tpu.enqueue_dma source(%dma_start3A_5 : memref<512xi32, #tpu.memory_space<hbm>>) target(%arg9 : memref<512xi32, #tpu.memory_space<vmem>>) target_semaphore(%arg12 : memref<!tpu.dma_semaphore, #tpu.memory_space<semaphore_mem>>)
    %dma_wait3A = tpu.memref_slice %arg4[%mul3A_2] : memref<16384xi32, #tpu.memory_space<hbm>> -> memref<512xi32, #tpu.memory_space<hbm>>
    %dma_wait3A_6 = tpu.memref_slice %arg4[%mul3A_2] : memref<16384xi32, #tpu.memory_space<hbm>> -> memref<512xi32, #tpu.memory_space<hbm>>
    tpu.wait_dma2 semaphore(%arg12 : memref<!tpu.dma_semaphore, #tpu.memory_space<semaphore_mem>>) src(%dma_wait3A_6 : memref<512xi32, #tpu.memory_space<hbm>>) dst(%arg8 : memref<512xi32, #tpu.memory_space<vmem>>)
    %dma_wait3A_7 = tpu.memref_slice %arg5[%mul3A_2] : memref<16384xi32, #tpu.memory_space<hbm>> -> memref<512xi32, #tpu.memory_space<hbm>>
    %dma_wait3A_8 = tpu.memref_slice %arg5[%mul3A_2] : memref<16384xi32, #tpu.memory_space<hbm>> -> memref<512xi32, #tpu.memory_space<hbm>>
    tpu.wait_dma2 semaphore(%arg12 : memref<!tpu.dma_semaphore, #tpu.memory_space<semaphore_mem>>) src(%dma_wait3A_8 : memref<512xi32, #tpu.memory_space<hbm>>) dst(%arg9 : memref<512xi32, #tpu.memory_space<vmem>>)
    %dma_start3A_9 = arith.constant 0 : i32
    %dma_start3A_10 = arith.constant 0 : i32
    %dma_start3A_11 = tpu.memref_slice %arg10[%dma_start3A_9, %dma_start3A_10] : memref<512x16xf32, #tpu.memory_space<vmem>> -> memref<128x16xf32, #tpu.memory_space<vmem>>
    %dma_start3A_12 = arith.constant 0 : i32
    %dma_start3A_13 = tpu.memref_slice %arg8[%dma_start3A_12] : memref<512xi32, #tpu.memory_space<vmem>> -> memref<128xi32, #tpu.memory_space<vmem>>
    %dma_start3A_14 = arith.constant 0 : i32
    %dma_start3A_15 = arith.constant 0 : i32
    %dma_start3A_16 = tpu.memref_slice %arg2[%dma_start3A_14, %dma_start3A_15] : memref<1000x16xf32, #tpu.memory_space<hbm>> -> memref<1000x16xf32, #tpu.memory_space<hbm>>
    tpu.enqueue_indirect_dma source(%dma_start3A_16 : memref<1000x16xf32, #tpu.memory_space<hbm>>) target(%dma_start3A_11 : memref<128x16xf32, #tpu.memory_space<vmem>>) offsets(%dma_start3A_13 : memref<128xi32, #tpu.memory_space<vmem>>) semaphore(%arg13 : memref<!tpu.dma_semaphore, #tpu.memory_space<semaphore_mem>>)
    %dma_start3A_17 = arith.constant 0 : i32
    %dma_start3A_18 = arith.constant 0 : i32
    %dma_start3A_19 = tpu.memref_slice %arg11[%dma_start3A_17, %dma_start3A_18] : memref<512x16xf32, #tpu.memory_space<vmem>> -> memref<128x16xf32, #tpu.memory_space<vmem>>
    %dma_start3A_20 = arith.constant 0 : i32
    %dma_start3A_21 = tpu.memref_slice %arg9[%dma_start3A_20] : memref<512xi32, #tpu.memory_space<vmem>> -> memref<128xi32, #tpu.memory_space<vmem>>
    %dma_start3A_22 = arith.constant 0 : i32
    %dma_start3A_23 = arith.constant 0 : i32
    %dma_start3A_24 = tpu.memref_slice %arg3[%dma_start3A_22, %dma_start3A_23] : memref<1000x16xf32, #tpu.memory_space<hbm>> -> memref<1000x16xf32, #tpu.memory_space<hbm>>
    tpu.enqueue_indirect_dma source(%dma_start3A_24 : memref<1000x16xf32, #tpu.memory_space<hbm>>) target(%dma_start3A_19 : memref<128x16xf32, #tpu.memory_space<vmem>>) offsets(%dma_start3A_21 : memref<128xi32, #tpu.memory_space<vmem>>) semaphore(%arg13 : memref<!tpu.dma_semaphore, #tpu.memory_space<semaphore_mem>>)
    %dma_start3A_25 = arith.constant 128 : i32
    %dma_start3A_26 = arith.constant 0 : i32
    %dma_start3A_27 = tpu.memref_slice %arg10[%dma_start3A_25, %dma_start3A_26] : memref<512x16xf32, #tpu.memory_space<vmem>> -> memref<128x16xf32, #tpu.memory_space<vmem>>
    %dma_start3A_28 = arith.constant 128 : i32
    %dma_start3A_29 = tpu.memref_slice %arg8[%dma_start3A_28] : memref<512xi32, #tpu.memory_space<vmem>> -> memref<128xi32, #tpu.memory_space<vmem>>
    %dma_start3A_30 = arith.constant 0 : i32
    %dma_start3A_31 = arith.constant 0 : i32
    %dma_start3A_32 = tpu.memref_slice %arg2[%dma_start3A_30, %dma_start3A_31] : memref<1000x16xf32, #tpu.memory_space<hbm>> -> memref<1000x16xf32, #tpu.memory_space<hbm>>
    tpu.enqueue_indirect_dma source(%dma_start3A_32 : memref<1000x16xf32, #tpu.memory_space<hbm>>) target(%dma_start3A_27 : memref<128x16xf32, #tpu.memory_space<vmem>>) offsets(%dma_start3A_29 : memref<128xi32, #tpu.memory_space<vmem>>) semaphore(%arg14 : memref<!tpu.dma_semaphore, #tpu.memory_space<semaphore_mem>>)
    %dma_start3A_33 = arith.constant 128 : i32
    %dma_start3A_34 = arith.constant 0 : i32
    %dma_start3A_35 = tpu.memref_slice %arg11[%dma_start3A_33, %dma_start3A_34] : memref<512x16xf32, #tpu.memory_space<vmem>> -> memref<128x16xf32, #tpu.memory_space<vmem>>
    %dma_start3A_36 = arith.constant 128 : i32
    %dma_start3A_37 = tpu.memref_slice %arg9[%dma_start3A_36] : memref<512xi32, #tpu.memory_space<vmem>> -> memref<128xi32, #tpu.memory_space<vmem>>
    %dma_start3A_38 = arith.constant 0 : i32
    %dma_start3A_39 = arith.constant 0 : i32
    %dma_start3A_40 = tpu.memref_slice %arg3[%dma_start3A_38, %dma_start3A_39] : memref<1000x16xf32, #tpu.memory_space<hbm>> -> memref<1000x16xf32, #tpu.memory_space<hbm>>
    tpu.enqueue_indirect_dma source(%dma_start3A_40 : memref<1000x16xf32, #tpu.memory_space<hbm>>) target(%dma_start3A_35 : memref<128x16xf32, #tpu.memory_space<vmem>>) offsets(%dma_start3A_37 : memref<128xi32, #tpu.memory_space<vmem>>) semaphore(%arg14 : memref<!tpu.dma_semaphore, #tpu.memory_space<semaphore_mem>>)
    %dma_start3A_41 = arith.constant 256 : i32
    %dma_start3A_42 = arith.constant 0 : i32
    %dma_start3A_43 = tpu.memref_slice %arg10[%dma_start3A_41, %dma_start3A_42] : memref<512x16xf32, #tpu.memory_space<vmem>> -> memref<128x16xf32, #tpu.memory_space<vmem>>
    %dma_start3A_44 = arith.constant 256 : i32
    %dma_start3A_45 = tpu.memref_slice %arg8[%dma_start3A_44] : memref<512xi32, #tpu.memory_space<vmem>> -> memref<128xi32, #tpu.memory_space<vmem>>
    %dma_start3A_46 = arith.constant 0 : i32
    %dma_start3A_47 = arith.constant 0 : i32
    %dma_start3A_48 = tpu.memref_slice %arg2[%dma_start3A_46, %dma_start3A_47] : memref<1000x16xf32, #tpu.memory_space<hbm>> -> memref<1000x16xf32, #tpu.memory_space<hbm>>
    tpu.enqueue_indirect_dma source(%dma_start3A_48 : memref<1000x16xf32, #tpu.memory_space<hbm>>) target(%dma_start3A_43 : memref<128x16xf32, #tpu.memory_space<vmem>>) offsets(%dma_start3A_45 : memref<128xi32, #tpu.memory_space<vmem>>) semaphore(%arg15 : memref<!tpu.dma_semaphore, #tpu.memory_space<semaphore_mem>>)
    %dma_start3A_49 = arith.constant 256 : i32
    %dma_start3A_50 = arith.constant 0 : i32
    %dma_start3A_51 = tpu.memref_slice %arg11[%dma_start3A_49, %dma_start3A_50] : memref<512x16xf32, #tpu.memory_space<vmem>> -> memref<128x16xf32, #tpu.memory_space<vmem>>
    %dma_start3A_52 = arith.constant 256 : i32
    %dma_start3A_53 = tpu.memref_slice %arg9[%dma_start3A_52] : memref<512xi32, #tpu.memory_space<vmem>> -> memref<128xi32, #tpu.memory_space<vmem>>
    %dma_start3A_54 = arith.constant 0 : i32
    %dma_start3A_55 = arith.constant 0 : i32
    %dma_start3A_56 = tpu.memref_slice %arg3[%dma_start3A_54, %dma_start3A_55] : memref<1000x16xf32, #tpu.memory_space<hbm>> -> memref<1000x16xf32, #tpu.memory_space<hbm>>
    tpu.enqueue_indirect_dma source(%dma_start3A_56 : memref<1000x16xf32, #tpu.memory_space<hbm>>) target(%dma_start3A_51 : memref<128x16xf32, #tpu.memory_space<vmem>>) offsets(%dma_start3A_53 : memref<128xi32, #tpu.memory_space<vmem>>) semaphore(%arg15 : memref<!tpu.dma_semaphore, #tpu.memory_space<semaphore_mem>>)
    %dma_start3A_57 = arith.constant 384 : i32
    %dma_start3A_58 = arith.constant 0 : i32
    %dma_start3A_59 = tpu.memref_slice %arg10[%dma_start3A_57, %dma_start3A_58] : memref<512x16xf32, #tpu.memory_space<vmem>> -> memref<128x16xf32, #tpu.memory_space<vmem>>
    %dma_start3A_60 = arith.constant 384 : i32
    %dma_start3A_61 = tpu.memref_slice %arg8[%dma_start3A_60] : memref<512xi32, #tpu.memory_space<vmem>> -> memref<128xi32, #tpu.memory_space<vmem>>
    %dma_start3A_62 = arith.constant 0 : i32
    %dma_start3A_63 = arith.constant 0 : i32
    %dma_start3A_64 = tpu.memref_slice %arg2[%dma_start3A_62, %dma_start3A_63] : memref<1000x16xf32, #tpu.memory_space<hbm>> -> memref<1000x16xf32, #tpu.memory_space<hbm>>
    tpu.enqueue_indirect_dma source(%dma_start3A_64 : memref<1000x16xf32, #tpu.memory_space<hbm>>) target(%dma_start3A_59 : memref<128x16xf32, #tpu.memory_space<vmem>>) offsets(%dma_start3A_61 : memref<128xi32, #tpu.memory_space<vmem>>) semaphore(%arg16 : memref<!tpu.dma_semaphore, #tpu.memory_space<semaphore_mem>>)
    %dma_start3A_65 = arith.constant 384 : i32
    %dma_start3A_66 = arith.constant 0 : i32
    %dma_start3A_67 = tpu.memref_slice %arg11[%dma_start3A_65, %dma_start3A_66] : memref<512x16xf32, #tpu.memory_space<vmem>> -> memref<128x16xf32, #tpu.memory_space<vmem>>
    %dma_start3A_68 = arith.constant 384 : i32
    %dma_start3A_69 = tpu.memref_slice %arg9[%dma_start3A_68] : memref<512xi32, #tpu.memory_space<vmem>> -> memref<128xi32, #tpu.memory_space<vmem>>
    %dma_start3A_70 = arith.constant 0 : i32
    %dma_start3A_71 = arith.constant 0 : i32
    %dma_start3A_72 = tpu.memref_slice %arg3[%dma_start3A_70, %dma_start3A_71] : memref<1000x16xf32, #tpu.memory_space<hbm>> -> memref<1000x16xf32, #tpu.memory_space<hbm>>
    tpu.enqueue_indirect_dma source(%dma_start3A_72 : memref<1000x16xf32, #tpu.memory_space<hbm>>) target(%dma_start3A_67 : memref<128x16xf32, #tpu.memory_space<vmem>>) offsets(%dma_start3A_69 : memref<128xi32, #tpu.memory_space<vmem>>) semaphore(%arg16 : memref<!tpu.dma_semaphore, #tpu.memory_space<semaphore_mem>>)
    %mul3A_73 = arith.constant 4 : i32
    %mul3A_74 = arith.muli %add3A, %mul3A_73 : i32
    %add3A_75 = arith.constant 0 : i32
    %add3A_76 = arith.addi %mul3A_74, %add3A_75 : i32
    %mul3A_77 = arith.constant 128 : i32
    %mul3A_78 = arith.muli %add3A_76, %mul3A_77 : i32
    %jit3A = arith.constant 4096 : i32
    %eq3A = arith.constant 0 : i32
    %eq3A_79 = arith.cmpi eq, %jit3A, %eq3A : i32
    %jit3A_80 = arith.constant 1 : i32
    %select_n3A = arith.select %eq3A_79, %jit3A_80, %jit3A : i32
    %rem3A = arith.remsi %mul3A_78, %select_n3A : i32
    %ne3A = arith.constant 0 : i32
    %ne3A_81 = arith.cmpi ne, %rem3A, %ne3A : i32
    %lt3A = arith.constant 0 : i32
    %lt3A_82 = arith.cmpi slt, %rem3A, %lt3A : i32
    %lt3A_83 = arith.constant 0 : i32
    %lt3A_84 = arith.cmpi slt, %select_n3A, %lt3A_83 : i32
    %ne3A_85 = arith.xori %lt3A_82, %lt3A_84 : i1
    %and3A = arith.andi %ne3A_85, %ne3A_81 : i1
    %add3A_86 = arith.addi %rem3A, %select_n3A : i32
    %select_n3A_87 = arith.select %and3A, %add3A_86, %rem3A : i32
    %mul3A_88 = arith.constant 128 : i32
    %mul3A_89 = arith.muli %add3A_76, %mul3A_88 : i32
    %jit3A_90 = arith.constant 4096 : i32
    %div3A = arith.divsi %mul3A_89, %jit3A_90 : i32
    %sign3A = arith.constant 0 : i32
    %sign3A_91 = arith.cmpi sgt, %mul3A_89, %sign3A : i32
    %sign3A_92 = arith.extui %sign3A_91 : i1 to i32
    %sign3A_93 = arith.constant 0 : i32
    %sign3A_94 = arith.cmpi slt, %mul3A_89, %sign3A_93 : i32
    %sign3A_95 = arith.extui %sign3A_94 : i1 to i32
    %sign3A_96 = arith.subi %sign3A_92, %sign3A_95 : i32
    %sign3A_97 = arith.constant 0 : i32
    %sign3A_98 = arith.cmpi sgt, %jit3A_90, %sign3A_97 : i32
    %sign3A_99 = arith.extui %sign3A_98 : i1 to i32
    %sign3A_100 = arith.constant 0 : i32
    %sign3A_101 = arith.cmpi slt, %jit3A_90, %sign3A_100 : i32
    %sign3A_102 = arith.extui %sign3A_101 : i1 to i32
    %sign3A_103 = arith.subi %sign3A_99, %sign3A_102 : i32
    %ne3A_104 = arith.cmpi ne, %sign3A_96, %sign3A_103 : i32
    %rem3A_105 = arith.remsi %mul3A_89, %jit3A_90 : i32
    %ne3A_106 = arith.constant 0 : i32
    %ne3A_107 = arith.cmpi ne, %rem3A_105, %ne3A_106 : i32
    %and3A_108 = arith.andi %ne3A_104, %ne3A_107 : i1
    %sub3A = arith.constant 1 : i32
    %sub3A_109 = arith.subi %div3A, %sub3A : i32
    %select_n3A_110 = arith.select %and3A_108, %sub3A_109, %div3A : i32
    %mul3A_111 = arith.constant 512 : i32
    %mul3A_112 = arith.muli %select_n3A_110, %mul3A_111 : i32
    %jit3A_113 = arith.constant 512 : i32
    %eq3A_114 = arith.constant 0 : i32
    %eq3A_115 = arith.cmpi eq, %jit3A_113, %eq3A_114 : i32
    %jit3A_116 = arith.constant 1 : i32
    %select_n3A_117 = arith.select %eq3A_115, %jit3A_116, %jit3A_113 : i32
    %rem3A_118 = arith.remsi %select_n3A_87, %select_n3A_117 : i32
    %ne3A_119 = arith.constant 0 : i32
    %ne3A_120 = arith.cmpi ne, %rem3A_118, %ne3A_119 : i32
    %lt3A_121 = arith.constant 0 : i32
    %lt3A_122 = arith.cmpi slt, %rem3A_118, %lt3A_121 : i32
    %lt3A_123 = arith.constant 0 : i32
    %lt3A_124 = arith.cmpi slt, %select_n3A_117, %lt3A_123 : i32
    %ne3A_125 = arith.xori %lt3A_122, %lt3A_124 : i1
    %and3A_126 = arith.andi %ne3A_125, %ne3A_120 : i1
    %add3A_127 = arith.addi %rem3A_118, %select_n3A_117 : i32
    %select_n3A_128 = arith.select %and3A_126, %add3A_127, %rem3A_118 : i32
    %add3A_129 = arith.addi %mul3A_112, %select_n3A_128 : i32
    %jit3A_130 = arith.constant 512 : i32
    %div3A_131 = arith.divsi %select_n3A_87, %jit3A_130 : i32
    %sign3A_132 = arith.constant 0 : i32
    %sign3A_133 = arith.cmpi sgt, %select_n3A_87, %sign3A_132 : i32
    %sign3A_134 = arith.extui %sign3A_133 : i1 to i32
    %sign3A_135 = arith.constant 0 : i32
    %sign3A_136 = arith.cmpi slt, %select_n3A_87, %sign3A_135 : i32
    %sign3A_137 = arith.extui %sign3A_136 : i1 to i32
    %sign3A_138 = arith.subi %sign3A_134, %sign3A_137 : i32
    %sign3A_139 = arith.constant 0 : i32
    %sign3A_140 = arith.cmpi sgt, %jit3A_130, %sign3A_139 : i32
    %sign3A_141 = arith.extui %sign3A_140 : i1 to i32
    %sign3A_142 = arith.constant 0 : i32
    %sign3A_143 = arith.cmpi slt, %jit3A_130, %sign3A_142 : i32
    %sign3A_144 = arith.extui %sign3A_143 : i1 to i32
    %sign3A_145 = arith.subi %sign3A_141, %sign3A_144 : i32
    %ne3A_146 = arith.cmpi ne, %sign3A_138, %sign3A_145 : i32
    %rem3A_147 = arith.remsi %select_n3A_87, %jit3A_130 : i32
    %ne3A_148 = arith.constant 0 : i32
    %ne3A_149 = arith.cmpi ne, %rem3A_147, %ne3A_148 : i32
    %and3A_150 = arith.andi %ne3A_146, %ne3A_149 : i1
    %sub3A_151 = arith.constant 1 : i32
    %sub3A_152 = arith.subi %div3A_131, %sub3A_151 : i32
    %select_n3A_153 = arith.select %and3A_150, %sub3A_152, %div3A_131 : i32
    %mul3A_154 = arith.constant 16 : i32
    %mul3A_155 = arith.muli %select_n3A_153, %mul3A_154 : i32
    %dma_wait3A_156 = arith.constant 0 : i32
    %dma_wait3A_157 = arith.constant 0 : i32
    %dma_wait3A_158 = tpu.memref_slice %arg10[%dma_wait3A_156, %dma_wait3A_157] : memref<512x16xf32, #tpu.memory_space<vmem>> -> memref<128x16xf32, #tpu.memory_space<vmem>>
    %dma_wait3A_159 = arith.constant 0 : i32
    %dma_wait3A_160 = tpu.memref_slice %arg8[%dma_wait3A_159] : memref<512xi32, #tpu.memory_space<vmem>> -> memref<128xi32, #tpu.memory_space<vmem>>
    %dma_wait3A_161 = arith.constant 0 : i32
    %dma_wait3A_162 = arith.constant 0 : i32
    %dma_wait3A_163 = tpu.memref_slice %arg2[%dma_wait3A_161, %dma_wait3A_162] : memref<1000x16xf32, #tpu.memory_space<hbm>> -> memref<1000x16xf32, #tpu.memory_space<hbm>>
    tpu.wait_indirect_dma semaphore(%arg13 : memref<!tpu.dma_semaphore, #tpu.memory_space<semaphore_mem>>) src(%dma_wait3A_163 : memref<1000x16xf32, #tpu.memory_space<hbm>>) dst(%dma_wait3A_158 : memref<128x16xf32, #tpu.memory_space<vmem>>)
    %dma_wait3A_164 = arith.constant 0 : i32
    %dma_wait3A_165 = arith.constant 0 : i32
    %dma_wait3A_166 = tpu.memref_slice %arg11[%dma_wait3A_164, %dma_wait3A_165] : memref<512x16xf32, #tpu.memory_space<vmem>> -> memref<128x16xf32, #tpu.memory_space<vmem>>
    %dma_wait3A_167 = arith.constant 0 : i32
    %dma_wait3A_168 = tpu.memref_slice %arg9[%dma_wait3A_167] : memref<512xi32, #tpu.memory_space<vmem>> -> memref<128xi32, #tpu.memory_space<vmem>>
    %dma_wait3A_169 = arith.constant 0 : i32
    %dma_wait3A_170 = arith.constant 0 : i32
    %dma_wait3A_171 = tpu.memref_slice %arg3[%dma_wait3A_169, %dma_wait3A_170] : memref<1000x16xf32, #tpu.memory_space<hbm>> -> memref<1000x16xf32, #tpu.memory_space<hbm>>
    tpu.wait_indirect_dma semaphore(%arg13 : memref<!tpu.dma_semaphore, #tpu.memory_space<semaphore_mem>>) src(%dma_wait3A_171 : memref<1000x16xf32, #tpu.memory_space<hbm>>) dst(%dma_wait3A_166 : memref<128x16xf32, #tpu.memory_space<vmem>>)
    %dma_start3A_172 = arith.constant 0 : i32
    %dma_start3A_173 = arith.constant 0 : i32
    %dma_start3A_174 = tpu.memref_slice %arg10[%dma_start3A_172, %dma_start3A_173] : memref<512x16xf32, #tpu.memory_space<vmem>> -> memref<128x16xf32, #tpu.memory_space<vmem>>
    %dma_start3A_175 = tpu.memref_slice %arg6[%add3A_129, %mul3A_155] : memref<2048x128xf32, #tpu.memory_space<hbm>> -> memref<128x16xf32, #tpu.memory_space<hbm>>
    %dma_start3A_176 = tpu.memref_slice %arg6[%add3A_129, %mul3A_155] : memref<2048x128xf32, #tpu.memory_space<hbm>> -> memref<128x16xf32, #tpu.memory_space<hbm>>
    %dma_start3A_177 = arith.constant 0 : i32
    %dma_start3A_178 = arith.constant 0 : i32
    %dma_start3A_179 = tpu.memref_slice %arg10[%dma_start3A_177, %dma_start3A_178] : memref<512x16xf32, #tpu.memory_space<vmem>> -> memref<128x16xf32, #tpu.memory_space<vmem>>
    tpu.enqueue_dma source(%dma_start3A_179 : memref<128x16xf32, #tpu.memory_space<vmem>>) target(%dma_start3A_176 : memref<128x16xf32, #tpu.memory_space<hbm>>) target_semaphore(%arg12 : memref<!tpu.dma_semaphore, #tpu.memory_space<semaphore_mem>>)
    %dma_start3A_180 = arith.constant 0 : i32
    %dma_start3A_181 = arith.constant 0 : i32
    %dma_start3A_182 = tpu.memref_slice %arg11[%dma_start3A_180, %dma_start3A_181] : memref<512x16xf32, #tpu.memory_space<vmem>> -> memref<128x16xf32, #tpu.memory_space<vmem>>
    %dma_start3A_183 = tpu.memref_slice %arg7[%add3A_129, %mul3A_155] : memref<2048x128xf32, #tpu.memory_space<hbm>> -> memref<128x16xf32, #tpu.memory_space<hbm>>
    %dma_start3A_184 = tpu.memref_slice %arg7[%add3A_129, %mul3A_155] : memref<2048x128xf32, #tpu.memory_space<hbm>> -> memref<128x16xf32, #tpu.memory_space<hbm>>
    %dma_start3A_185 = arith.constant 0 : i32
    %dma_start3A_186 = arith.constant 0 : i32
    %dma_start3A_187 = tpu.memref_slice %arg11[%dma_start3A_185, %dma_start3A_186] : memref<512x16xf32, #tpu.memory_space<vmem>> -> memref<128x16xf32, #tpu.memory_space<vmem>>
    tpu.enqueue_dma source(%dma_start3A_187 : memref<128x16xf32, #tpu.memory_space<vmem>>) target(%dma_start3A_184 : memref<128x16xf32, #tpu.memory_space<hbm>>) target_semaphore(%arg12 : memref<!tpu.dma_semaphore, #tpu.memory_space<semaphore_mem>>)
    %mul3A_188 = arith.constant 4 : i32
    %mul3A_189 = arith.muli %add3A, %mul3A_188 : i32
    %add3A_190 = arith.constant 1 : i32
    %add3A_191 = arith.addi %mul3A_189, %add3A_190 : i32
    %mul3A_192 = arith.constant 128 : i32
    %mul3A_193 = arith.muli %add3A_191, %mul3A_192 : i32
    %jit3A_194 = arith.constant 4096 : i32
    %eq3A_195 = arith.constant 0 : i32
    %eq3A_196 = arith.cmpi eq, %jit3A_194, %eq3A_195 : i32
    %jit3A_197 = arith.constant 1 : i32
    %select_n3A_198 = arith.select %eq3A_196, %jit3A_197, %jit3A_194 : i32
    %rem3A_199 = arith.remsi %mul3A_193, %select_n3A_198 : i32
    %ne3A_200 = arith.constant 0 : i32
    %ne3A_201 = arith.cmpi ne, %rem3A_199, %ne3A_200 : i32
    %lt3A_202 = arith.constant 0 : i32
    %lt3A_203 = arith.cmpi slt, %rem3A_199, %lt3A_202 : i32
    %lt3A_204 = arith.constant 0 : i32
    %lt3A_205 = arith.cmpi slt, %select_n3A_198, %lt3A_204 : i32
    %ne3A_206 = arith.xori %lt3A_203, %lt3A_205 : i1
    %and3A_207 = arith.andi %ne3A_206, %ne3A_201 : i1
    %add3A_208 = arith.addi %rem3A_199, %select_n3A_198 : i32
    %select_n3A_209 = arith.select %and3A_207, %add3A_208, %rem3A_199 : i32
    %mul3A_210 = arith.constant 128 : i32
    %mul3A_211 = arith.muli %add3A_191, %mul3A_210 : i32
    %jit3A_212 = arith.constant 4096 : i32
    %div3A_213 = arith.divsi %mul3A_211, %jit3A_212 : i32
    %sign3A_214 = arith.constant 0 : i32
    %sign3A_215 = arith.cmpi sgt, %mul3A_211, %sign3A_214 : i32
    %sign3A_216 = arith.extui %sign3A_215 : i1 to i32
    %sign3A_217 = arith.constant 0 : i32
    %sign3A_218 = arith.cmpi slt, %mul3A_211, %sign3A_217 : i32
    %sign3A_219 = arith.extui %sign3A_218 : i1 to i32
    %sign3A_220 = arith.subi %sign3A_216, %sign3A_219 : i32
    %sign3A_221 = arith.constant 0 : i32
    %sign3A_222 = arith.cmpi sgt, %jit3A_212, %sign3A_221 : i32
    %sign3A_223 = arith.extui %sign3A_222 : i1 to i32
    %sign3A_224 = arith.constant 0 : i32
    %sign3A_225 = arith.cmpi slt, %jit3A_212, %sign3A_224 : i32
    %sign3A_226 = arith.extui %sign3A_225 : i1 to i32
    %sign3A_227 = arith.subi %sign3A_223, %sign3A_226 : i32
    %ne3A_228 = arith.cmpi ne, %sign3A_220, %sign3A_227 : i32
    %rem3A_229 = arith.remsi %mul3A_211, %jit3A_212 : i32
    %ne3A_230 = arith.constant 0 : i32
    %ne3A_231 = arith.cmpi ne, %rem3A_229, %ne3A_230 : i32
    %and3A_232 = arith.andi %ne3A_228, %ne3A_231 : i1
    %sub3A_233 = arith.constant 1 : i32
    %sub3A_234 = arith.subi %div3A_213, %sub3A_233 : i32
    %select_n3A_235 = arith.select %and3A_232, %sub3A_234, %div3A_213 : i32
    %mul3A_236 = arith.constant 512 : i32
    %mul3A_237 = arith.muli %select_n3A_235, %mul3A_236 : i32
    %jit3A_238 = arith.constant 512 : i32
    %eq3A_239 = arith.constant 0 : i32
    %eq3A_240 = arith.cmpi eq, %jit3A_238, %eq3A_239 : i32
    %jit3A_241 = arith.constant 1 : i32
    %select_n3A_242 = arith.select %eq3A_240, %jit3A_241, %jit3A_238 : i32
    %rem3A_243 = arith.remsi %select_n3A_209, %select_n3A_242 : i32
    %ne3A_244 = arith.constant 0 : i32
    %ne3A_245 = arith.cmpi ne, %rem3A_243, %ne3A_244 : i32
    %lt3A_246 = arith.constant 0 : i32
    %lt3A_247 = arith.cmpi slt, %rem3A_243, %lt3A_246 : i32
    %lt3A_248 = arith.constant 0 : i32
    %lt3A_249 = arith.cmpi slt, %select_n3A_242, %lt3A_248 : i32
    %ne3A_250 = arith.xori %lt3A_247, %lt3A_249 : i1
    %and3A_251 = arith.andi %ne3A_250, %ne3A_245 : i1
    %add3A_252 = arith.addi %rem3A_243, %select_n3A_242 : i32
    %select_n3A_253 = arith.select %and3A_251, %add3A_252, %rem3A_243 : i32
    %add3A_254 = arith.addi %mul3A_237, %select_n3A_253 : i32
    %jit3A_255 = arith.constant 512 : i32
    %div3A_256 = arith.divsi %select_n3A_209, %jit3A_255 : i32
    %sign3A_257 = arith.constant 0 : i32
    %sign3A_258 = arith.cmpi sgt, %select_n3A_209, %sign3A_257 : i32
    %sign3A_259 = arith.extui %sign3A_258 : i1 to i32
    %sign3A_260 = arith.constant 0 : i32
    %sign3A_261 = arith.cmpi slt, %select_n3A_209, %sign3A_260 : i32
    %sign3A_262 = arith.extui %sign3A_261 : i1 to i32
    %sign3A_263 = arith.subi %sign3A_259, %sign3A_262 : i32
    %sign3A_264 = arith.constant 0 : i32
    %sign3A_265 = arith.cmpi sgt, %jit3A_255, %sign3A_264 : i32
    %sign3A_266 = arith.extui %sign3A_265 : i1 to i32
    %sign3A_267 = arith.constant 0 : i32
    %sign3A_268 = arith.cmpi slt, %jit3A_255, %sign3A_267 : i32
    %sign3A_269 = arith.extui %sign3A_268 : i1 to i32
    %sign3A_270 = arith.subi %sign3A_266, %sign3A_269 : i32
    %ne3A_271 = arith.cmpi ne, %sign3A_263, %sign3A_270 : i32
    %rem3A_272 = arith.remsi %select_n3A_209, %jit3A_255 : i32
    %ne3A_273 = arith.constant 0 : i32
    %ne3A_274 = arith.cmpi ne, %rem3A_272, %ne3A_273 : i32
    %and3A_275 = arith.andi %ne3A_271, %ne3A_274 : i1
    %sub3A_276 = arith.constant 1 : i32
    %sub3A_277 = arith.subi %div3A_256, %sub3A_276 : i32
    %select_n3A_278 = arith.select %and3A_275, %sub3A_277, %div3A_256 : i32
    %mul3A_279 = arith.constant 16 : i32
    %mul3A_280 = arith.muli %select_n3A_278, %mul3A_279 : i32
    %dma_wait3A_281 = arith.constant 128 : i32
    %dma_wait3A_282 = arith.constant 0 : i32
    %dma_wait3A_283 = tpu.memref_slice %arg10[%dma_wait3A_281, %dma_wait3A_282] : memref<512x16xf32, #tpu.memory_space<vmem>> -> memref<128x16xf32, #tpu.memory_space<vmem>>
    %dma_wait3A_284 = arith.constant 128 : i32
    %dma_wait3A_285 = tpu.memref_slice %arg8[%dma_wait3A_284] : memref<512xi32, #tpu.memory_space<vmem>> -> memref<128xi32, #tpu.memory_space<vmem>>
    %dma_wait3A_286 = arith.constant 0 : i32
    %dma_wait3A_287 = arith.constant 0 : i32
    %dma_wait3A_288 = tpu.memref_slice %arg2[%dma_wait3A_286, %dma_wait3A_287] : memref<1000x16xf32, #tpu.memory_space<hbm>> -> memref<1000x16xf32, #tpu.memory_space<hbm>>
    tpu.wait_indirect_dma semaphore(%arg14 : memref<!tpu.dma_semaphore, #tpu.memory_space<semaphore_mem>>) src(%dma_wait3A_288 : memref<1000x16xf32, #tpu.memory_space<hbm>>) dst(%dma_wait3A_283 : memref<128x16xf32, #tpu.memory_space<vmem>>)
    %dma_wait3A_289 = arith.constant 128 : i32
    %dma_wait3A_290 = arith.constant 0 : i32
    %dma_wait3A_291 = tpu.memref_slice %arg11[%dma_wait3A_289, %dma_wait3A_290] : memref<512x16xf32, #tpu.memory_space<vmem>> -> memref<128x16xf32, #tpu.memory_space<vmem>>
    %dma_wait3A_292 = arith.constant 128 : i32
    %dma_wait3A_293 = tpu.memref_slice %arg9[%dma_wait3A_292] : memref<512xi32, #tpu.memory_space<vmem>> -> memref<128xi32, #tpu.memory_space<vmem>>
    %dma_wait3A_294 = arith.constant 0 : i32
    %dma_wait3A_295 = arith.constant 0 : i32
    %dma_wait3A_296 = tpu.memref_slice %arg3[%dma_wait3A_294, %dma_wait3A_295] : memref<1000x16xf32, #tpu.memory_space<hbm>> -> memref<1000x16xf32, #tpu.memory_space<hbm>>
    tpu.wait_indirect_dma semaphore(%arg14 : memref<!tpu.dma_semaphore, #tpu.memory_space<semaphore_mem>>) src(%dma_wait3A_296 : memref<1000x16xf32, #tpu.memory_space<hbm>>) dst(%dma_wait3A_291 : memref<128x16xf32, #tpu.memory_space<vmem>>)
    %dma_start3A_297 = arith.constant 128 : i32
    %dma_start3A_298 = arith.constant 0 : i32
    %dma_start3A_299 = tpu.memref_slice %arg10[%dma_start3A_297, %dma_start3A_298] : memref<512x16xf32, #tpu.memory_space<vmem>> -> memref<128x16xf32, #tpu.memory_space<vmem>>
    %dma_start3A_300 = tpu.memref_slice %arg6[%add3A_254, %mul3A_280] : memref<2048x128xf32, #tpu.memory_space<hbm>> -> memref<128x16xf32, #tpu.memory_space<hbm>>
    %dma_start3A_301 = tpu.memref_slice %arg6[%add3A_254, %mul3A_280] : memref<2048x128xf32, #tpu.memory_space<hbm>> -> memref<128x16xf32, #tpu.memory_space<hbm>>
    %dma_start3A_302 = arith.constant 128 : i32
    %dma_start3A_303 = arith.constant 0 : i32
    %dma_start3A_304 = tpu.memref_slice %arg10[%dma_start3A_302, %dma_start3A_303] : memref<512x16xf32, #tpu.memory_space<vmem>> -> memref<128x16xf32, #tpu.memory_space<vmem>>
    tpu.enqueue_dma source(%dma_start3A_304 : memref<128x16xf32, #tpu.memory_space<vmem>>) target(%dma_start3A_301 : memref<128x16xf32, #tpu.memory_space<hbm>>) target_semaphore(%arg12 : memref<!tpu.dma_semaphore, #tpu.memory_space<semaphore_mem>>)
    %dma_start3A_305 = arith.constant 128 : i32
    %dma_start3A_306 = arith.constant 0 : i32
    %dma_start3A_307 = tpu.memref_slice %arg11[%dma_start3A_305, %dma_start3A_306] : memref<512x16xf32, #tpu.memory_space<vmem>> -> memref<128x16xf32, #tpu.memory_space<vmem>>
    %dma_start3A_308 = tpu.memref_slice %arg7[%add3A_254, %mul3A_280] : memref<2048x128xf32, #tpu.memory_space<hbm>> -> memref<128x16xf32, #tpu.memory_space<hbm>>
    %dma_start3A_309 = tpu.memref_slice %arg7[%add3A_254, %mul3A_280] : memref<2048x128xf32, #tpu.memory_space<hbm>> -> memref<128x16xf32, #tpu.memory_space<hbm>>
    %dma_start3A_310 = arith.constant 128 : i32
    %dma_start3A_311 = arith.constant 0 : i32
    %dma_start3A_312 = tpu.memref_slice %arg11[%dma_start3A_310, %dma_start3A_311] : memref<512x16xf32, #tpu.memory_space<vmem>> -> memref<128x16xf32, #tpu.memory_space<vmem>>
    tpu.enqueue_dma source(%dma_start3A_312 : memref<128x16xf32, #tpu.memory_space<vmem>>) target(%dma_start3A_309 : memref<128x16xf32, #tpu.memory_space<hbm>>) target_semaphore(%arg12 : memref<!tpu.dma_semaphore, #tpu.memory_space<semaphore_mem>>)
    %mul3A_313 = arith.constant 4 : i32
    %mul3A_314 = arith.muli %add3A, %mul3A_313 : i32
    %add3A_315 = arith.constant 2 : i32
    %add3A_316 = arith.addi %mul3A_314, %add3A_315 : i32
    %mul3A_317 = arith.constant 128 : i32
    %mul3A_318 = arith.muli %add3A_316, %mul3A_317 : i32
    %jit3A_319 = arith.constant 4096 : i32
    %eq3A_320 = arith.constant 0 : i32
    %eq3A_321 = arith.cmpi eq, %jit3A_319, %eq3A_320 : i32
    %jit3A_322 = arith.constant 1 : i32
    %select_n3A_323 = arith.select %eq3A_321, %jit3A_322, %jit3A_319 : i32
    %rem3A_324 = arith.remsi %mul3A_318, %select_n3A_323 : i32
    %ne3A_325 = arith.constant 0 : i32
    %ne3A_326 = arith.cmpi ne, %rem3A_324, %ne3A_325 : i32
    %lt3A_327 = arith.constant 0 : i32
    %lt3A_328 = arith.cmpi slt, %rem3A_324, %lt3A_327 : i32
    %lt3A_329 = arith.constant 0 : i32
    %lt3A_330 = arith.cmpi slt, %select_n3A_323, %lt3A_329 : i32
    %ne3A_331 = arith.xori %lt3A_328, %lt3A_330 : i1
    %and3A_332 = arith.andi %ne3A_331, %ne3A_326 : i1
    %add3A_333 = arith.addi %rem3A_324, %select_n3A_323 : i32
    %select_n3A_334 = arith.select %and3A_332, %add3A_333, %rem3A_324 : i32
    %mul3A_335 = arith.constant 128 : i32
    %mul3A_336 = arith.muli %add3A_316, %mul3A_335 : i32
    %jit3A_337 = arith.constant 4096 : i32
    %div3A_338 = arith.divsi %mul3A_336, %jit3A_337 : i32
    %sign3A_339 = arith.constant 0 : i32
    %sign3A_340 = arith.cmpi sgt, %mul3A_336, %sign3A_339 : i32
    %sign3A_341 = arith.extui %sign3A_340 : i1 to i32
    %sign3A_342 = arith.constant 0 : i32
    %sign3A_343 = arith.cmpi slt, %mul3A_336, %sign3A_342 : i32
    %sign3A_344 = arith.extui %sign3A_343 : i1 to i32
    %sign3A_345 = arith.subi %sign3A_341, %sign3A_344 : i32
    %sign3A_346 = arith.constant 0 : i32
    %sign3A_347 = arith.cmpi sgt, %jit3A_337, %sign3A_346 : i32
    %sign3A_348 = arith.extui %sign3A_347 : i1 to i32
    %sign3A_349 = arith.constant 0 : i32
    %sign3A_350 = arith.cmpi slt, %jit3A_337, %sign3A_349 : i32
    %sign3A_351 = arith.extui %sign3A_350 : i1 to i32
    %sign3A_352 = arith.subi %sign3A_348, %sign3A_351 : i32
    %ne3A_353 = arith.cmpi ne, %sign3A_345, %sign3A_352 : i32
    %rem3A_354 = arith.remsi %mul3A_336, %jit3A_337 : i32
    %ne3A_355 = arith.constant 0 : i32
    %ne3A_356 = arith.cmpi ne, %rem3A_354, %ne3A_355 : i32
    %and3A_357 = arith.andi %ne3A_353, %ne3A_356 : i1
    %sub3A_358 = arith.constant 1 : i32
    %sub3A_359 = arith.subi %div3A_338, %sub3A_358 : i32
    %select_n3A_360 = arith.select %and3A_357, %sub3A_359, %div3A_338 : i32
    %mul3A_361 = arith.constant 512 : i32
    %mul3A_362 = arith.muli %select_n3A_360, %mul3A_361 : i32
    %jit3A_363 = arith.constant 512 : i32
    %eq3A_364 = arith.constant 0 : i32
    %eq3A_365 = arith.cmpi eq, %jit3A_363, %eq3A_364 : i32
    %jit3A_366 = arith.constant 1 : i32
    %select_n3A_367 = arith.select %eq3A_365, %jit3A_366, %jit3A_363 : i32
    %rem3A_368 = arith.remsi %select_n3A_334, %select_n3A_367 : i32
    %ne3A_369 = arith.constant 0 : i32
    %ne3A_370 = arith.cmpi ne, %rem3A_368, %ne3A_369 : i32
    %lt3A_371 = arith.constant 0 : i32
    %lt3A_372 = arith.cmpi slt, %rem3A_368, %lt3A_371 : i32
    %lt3A_373 = arith.constant 0 : i32
    %lt3A_374 = arith.cmpi slt, %select_n3A_367, %lt3A_373 : i32
    %ne3A_375 = arith.xori %lt3A_372, %lt3A_374 : i1
    %and3A_376 = arith.andi %ne3A_375, %ne3A_370 : i1
    %add3A_377 = arith.addi %rem3A_368, %select_n3A_367 : i32
    %select_n3A_378 = arith.select %and3A_376, %add3A_377, %rem3A_368 : i32
    %add3A_379 = arith.addi %mul3A_362, %select_n3A_378 : i32
    %jit3A_380 = arith.constant 512 : i32
    %div3A_381 = arith.divsi %select_n3A_334, %jit3A_380 : i32
    %sign3A_382 = arith.constant 0 : i32
    %sign3A_383 = arith.cmpi sgt, %select_n3A_334, %sign3A_382 : i32
    %sign3A_384 = arith.extui %sign3A_383 : i1 to i32
    %sign3A_385 = arith.constant 0 : i32
    %sign3A_386 = arith.cmpi slt, %select_n3A_334, %sign3A_385 : i32
    %sign3A_387 = arith.extui %sign3A_386 : i1 to i32
    %sign3A_388 = arith.subi %sign3A_384, %sign3A_387 : i32
    %sign3A_389 = arith.constant 0 : i32
    %sign3A_390 = arith.cmpi sgt, %jit3A_380, %sign3A_389 : i32
    %sign3A_391 = arith.extui %sign3A_390 : i1 to i32
    %sign3A_392 = arith.constant 0 : i32
    %sign3A_393 = arith.cmpi slt, %jit3A_380, %sign3A_392 : i32
    %sign3A_394 = arith.extui %sign3A_393 : i1 to i32
    %sign3A_395 = arith.subi %sign3A_391, %sign3A_394 : i32
    %ne3A_396 = arith.cmpi ne, %sign3A_388, %sign3A_395 : i32
    %rem3A_397 = arith.remsi %select_n3A_334, %jit3A_380 : i32
    %ne3A_398 = arith.constant 0 : i32
    %ne3A_399 = arith.cmpi ne, %rem3A_397, %ne3A_398 : i32
    %and3A_400 = arith.andi %ne3A_396, %ne3A_399 : i1
    %sub3A_401 = arith.constant 1 : i32
    %sub3A_402 = arith.subi %div3A_381, %sub3A_401 : i32
    %select_n3A_403 = arith.select %and3A_400, %sub3A_402, %div3A_381 : i32
    %mul3A_404 = arith.constant 16 : i32
    %mul3A_405 = arith.muli %select_n3A_403, %mul3A_404 : i32
    %dma_wait3A_406 = arith.constant 256 : i32
    %dma_wait3A_407 = arith.constant 0 : i32
    %dma_wait3A_408 = tpu.memref_slice %arg10[%dma_wait3A_406, %dma_wait3A_407] : memref<512x16xf32, #tpu.memory_space<vmem>> -> memref<128x16xf32, #tpu.memory_space<vmem>>
    %dma_wait3A_409 = arith.constant 256 : i32
    %dma_wait3A_410 = tpu.memref_slice %arg8[%dma_wait3A_409] : memref<512xi32, #tpu.memory_space<vmem>> -> memref<128xi32, #tpu.memory_space<vmem>>
    %dma_wait3A_411 = arith.constant 0 : i32
    %dma_wait3A_412 = arith.constant 0 : i32
    %dma_wait3A_413 = tpu.memref_slice %arg2[%dma_wait3A_411, %dma_wait3A_412] : memref<1000x16xf32, #tpu.memory_space<hbm>> -> memref<1000x16xf32, #tpu.memory_space<hbm>>
    tpu.wait_indirect_dma semaphore(%arg15 : memref<!tpu.dma_semaphore, #tpu.memory_space<semaphore_mem>>) src(%dma_wait3A_413 : memref<1000x16xf32, #tpu.memory_space<hbm>>) dst(%dma_wait3A_408 : memref<128x16xf32, #tpu.memory_space<vmem>>)
    %dma_wait3A_414 = arith.constant 256 : i32
    %dma_wait3A_415 = arith.constant 0 : i32
    %dma_wait3A_416 = tpu.memref_slice %arg11[%dma_wait3A_414, %dma_wait3A_415] : memref<512x16xf32, #tpu.memory_space<vmem>> -> memref<128x16xf32, #tpu.memory_space<vmem>>
    %dma_wait3A_417 = arith.constant 256 : i32
    %dma_wait3A_418 = tpu.memref_slice %arg9[%dma_wait3A_417] : memref<512xi32, #tpu.memory_space<vmem>> -> memref<128xi32, #tpu.memory_space<vmem>>
    %dma_wait3A_419 = arith.constant 0 : i32
    %dma_wait3A_420 = arith.constant 0 : i32
    %dma_wait3A_421 = tpu.memref_slice %arg3[%dma_wait3A_419, %dma_wait3A_420] : memref<1000x16xf32, #tpu.memory_space<hbm>> -> memref<1000x16xf32, #tpu.memory_space<hbm>>
    tpu.wait_indirect_dma semaphore(%arg15 : memref<!tpu.dma_semaphore, #tpu.memory_space<semaphore_mem>>) src(%dma_wait3A_421 : memref<1000x16xf32, #tpu.memory_space<hbm>>) dst(%dma_wait3A_416 : memref<128x16xf32, #tpu.memory_space<vmem>>)
    %dma_start3A_422 = arith.constant 256 : i32
    %dma_start3A_423 = arith.constant 0 : i32
    %dma_start3A_424 = tpu.memref_slice %arg10[%dma_start3A_422, %dma_start3A_423] : memref<512x16xf32, #tpu.memory_space<vmem>> -> memref<128x16xf32, #tpu.memory_space<vmem>>
    %dma_start3A_425 = tpu.memref_slice %arg6[%add3A_379, %mul3A_405] : memref<2048x128xf32, #tpu.memory_space<hbm>> -> memref<128x16xf32, #tpu.memory_space<hbm>>
    %dma_start3A_426 = tpu.memref_slice %arg6[%add3A_379, %mul3A_405] : memref<2048x128xf32, #tpu.memory_space<hbm>> -> memref<128x16xf32, #tpu.memory_space<hbm>>
    %dma_start3A_427 = arith.constant 256 : i32
    %dma_start3A_428 = arith.constant 0 : i32
    %dma_start3A_429 = tpu.memref_slice %arg10[%dma_start3A_427, %dma_start3A_428] : memref<512x16xf32, #tpu.memory_space<vmem>> -> memref<128x16xf32, #tpu.memory_space<vmem>>
    tpu.enqueue_dma source(%dma_start3A_429 : memref<128x16xf32, #tpu.memory_space<vmem>>) target(%dma_start3A_426 : memref<128x16xf32, #tpu.memory_space<hbm>>) target_semaphore(%arg12 : memref<!tpu.dma_semaphore, #tpu.memory_space<semaphore_mem>>)
    %dma_start3A_430 = arith.constant 256 : i32
    %dma_start3A_431 = arith.constant 0 : i32
    %dma_start3A_432 = tpu.memref_slice %arg11[%dma_start3A_430, %dma_start3A_431] : memref<512x16xf32, #tpu.memory_space<vmem>> -> memref<128x16xf32, #tpu.memory_space<vmem>>
    %dma_start3A_433 = tpu.memref_slice %arg7[%add3A_379, %mul3A_405] : memref<2048x128xf32, #tpu.memory_space<hbm>> -> memref<128x16xf32, #tpu.memory_space<hbm>>
    %dma_start3A_434 = tpu.memref_slice %arg7[%add3A_379, %mul3A_405] : memref<2048x128xf32, #tpu.memory_space<hbm>> -> memref<128x16xf32, #tpu.memory_space<hbm>>
    %dma_start3A_435 = arith.constant 256 : i32
    %dma_start3A_436 = arith.constant 0 : i32
    %dma_start3A_437 = tpu.memref_slice %arg11[%dma_start3A_435, %dma_start3A_436] : memref<512x16xf32, #tpu.memory_space<vmem>> -> memref<128x16xf32, #tpu.memory_space<vmem>>
    tpu.enqueue_dma source(%dma_start3A_437 : memref<128x16xf32, #tpu.memory_space<vmem>>) target(%dma_start3A_434 : memref<128x16xf32, #tpu.memory_space<hbm>>) target_semaphore(%arg12 : memref<!tpu.dma_semaphore, #tpu.memory_space<semaphore_mem>>)
    %mul3A_438 = arith.constant 4 : i32
    %mul3A_439 = arith.muli %add3A, %mul3A_438 : i32
    %add3A_440 = arith.constant 3 : i32
    %add3A_441 = arith.addi %mul3A_439, %add3A_440 : i32
    %mul3A_442 = arith.constant 128 : i32
    %mul3A_443 = arith.muli %add3A_441, %mul3A_442 : i32
    %jit3A_444 = arith.constant 4096 : i32
    %eq3A_445 = arith.constant 0 : i32
    %eq3A_446 = arith.cmpi eq, %jit3A_444, %eq3A_445 : i32
    %jit3A_447 = arith.constant 1 : i32
    %select_n3A_448 = arith.select %eq3A_446, %jit3A_447, %jit3A_444 : i32
    %rem3A_449 = arith.remsi %mul3A_443, %select_n3A_448 : i32
    %ne3A_450 = arith.constant 0 : i32
    %ne3A_451 = arith.cmpi ne, %rem3A_449, %ne3A_450 : i32
    %lt3A_452 = arith.constant 0 : i32
    %lt3A_453 = arith.cmpi slt, %rem3A_449, %lt3A_452 : i32
    %lt3A_454 = arith.constant 0 : i32
    %lt3A_455 = arith.cmpi slt, %select_n3A_448, %lt3A_454 : i32
    %ne3A_456 = arith.xori %lt3A_453, %lt3A_455 : i1
    %and3A_457 = arith.andi %ne3A_456, %ne3A_451 : i1
    %add3A_458 = arith.addi %rem3A_449, %select_n3A_448 : i32
    %select_n3A_459 = arith.select %and3A_457, %add3A_458, %rem3A_449 : i32
    %mul3A_460 = arith.constant 128 : i32
    %mul3A_461 = arith.muli %add3A_441, %mul3A_460 : i32
    %jit3A_462 = arith.constant 4096 : i32
    %div3A_463 = arith.divsi %mul3A_461, %jit3A_462 : i32
    %sign3A_464 = arith.constant 0 : i32
    %sign3A_465 = arith.cmpi sgt, %mul3A_461, %sign3A_464 : i32
    %sign3A_466 = arith.extui %sign3A_465 : i1 to i32
    %sign3A_467 = arith.constant 0 : i32
    %sign3A_468 = arith.cmpi slt, %mul3A_461, %sign3A_467 : i32
    %sign3A_469 = arith.extui %sign3A_468 : i1 to i32
    %sign3A_470 = arith.subi %sign3A_466, %sign3A_469 : i32
    %sign3A_471 = arith.constant 0 : i32
    %sign3A_472 = arith.cmpi sgt, %jit3A_462, %sign3A_471 : i32
    %sign3A_473 = arith.extui %sign3A_472 : i1 to i32
    %sign3A_474 = arith.constant 0 : i32
    %sign3A_475 = arith.cmpi slt, %jit3A_462, %sign3A_474 : i32
    %sign3A_476 = arith.extui %sign3A_475 : i1 to i32
    %sign3A_477 = arith.subi %sign3A_473, %sign3A_476 : i32
    %ne3A_478 = arith.cmpi ne, %sign3A_470, %sign3A_477 : i32
    %rem3A_479 = arith.remsi %mul3A_461, %jit3A_462 : i32
    %ne3A_480 = arith.constant 0 : i32
    %ne3A_481 = arith.cmpi ne, %rem3A_479, %ne3A_480 : i32
    %and3A_482 = arith.andi %ne3A_478, %ne3A_481 : i1
    %sub3A_483 = arith.constant 1 : i32
    %sub3A_484 = arith.subi %div3A_463, %sub3A_483 : i32
    %select_n3A_485 = arith.select %and3A_482, %sub3A_484, %div3A_463 : i32
    %mul3A_486 = arith.constant 512 : i32
    %mul3A_487 = arith.muli %select_n3A_485, %mul3A_486 : i32
    %jit3A_488 = arith.constant 512 : i32
    %eq3A_489 = arith.constant 0 : i32
    %eq3A_490 = arith.cmpi eq, %jit3A_488, %eq3A_489 : i32
    %jit3A_491 = arith.constant 1 : i32
    %select_n3A_492 = arith.select %eq3A_490, %jit3A_491, %jit3A_488 : i32
    %rem3A_493 = arith.remsi %select_n3A_459, %select_n3A_492 : i32
    %ne3A_494 = arith.constant 0 : i32
    %ne3A_495 = arith.cmpi ne, %rem3A_493, %ne3A_494 : i32
    %lt3A_496 = arith.constant 0 : i32
    %lt3A_497 = arith.cmpi slt, %rem3A_493, %lt3A_496 : i32
    %lt3A_498 = arith.constant 0 : i32
    %lt3A_499 = arith.cmpi slt, %select_n3A_492, %lt3A_498 : i32
    %ne3A_500 = arith.xori %lt3A_497, %lt3A_499 : i1
    %and3A_501 = arith.andi %ne3A_500, %ne3A_495 : i1
    %add3A_502 = arith.addi %rem3A_493, %select_n3A_492 : i32
    %select_n3A_503 = arith.select %and3A_501, %add3A_502, %rem3A_493 : i32
    %add3A_504 = arith.addi %mul3A_487, %select_n3A_503 : i32
    %jit3A_505 = arith.constant 512 : i32
    %div3A_506 = arith.divsi %select_n3A_459, %jit3A_505 : i32
    %sign3A_507 = arith.constant 0 : i32
    %sign3A_508 = arith.cmpi sgt, %select_n3A_459, %sign3A_507 : i32
    %sign3A_509 = arith.extui %sign3A_508 : i1 to i32
    %sign3A_510 = arith.constant 0 : i32
    %sign3A_511 = arith.cmpi slt, %select_n3A_459, %sign3A_510 : i32
    %sign3A_512 = arith.extui %sign3A_511 : i1 to i32
    %sign3A_513 = arith.subi %sign3A_509, %sign3A_512 : i32
    %sign3A_514 = arith.constant 0 : i32
    %sign3A_515 = arith.cmpi sgt, %jit3A_505, %sign3A_514 : i32
    %sign3A_516 = arith.extui %sign3A_515 : i1 to i32
    %sign3A_517 = arith.constant 0 : i32
    %sign3A_518 = arith.cmpi slt, %jit3A_505, %sign3A_517 : i32
    %sign3A_519 = arith.extui %sign3A_518 : i1 to i32
    %sign3A_520 = arith.subi %sign3A_516, %sign3A_519 : i32
    %ne3A_521 = arith.cmpi ne, %sign3A_513, %sign3A_520 : i32
    %rem3A_522 = arith.remsi %select_n3A_459, %jit3A_505 : i32
    %ne3A_523 = arith.constant 0 : i32
    %ne3A_524 = arith.cmpi ne, %rem3A_522, %ne3A_523 : i32
    %and3A_525 = arith.andi %ne3A_521, %ne3A_524 : i1
    %sub3A_526 = arith.constant 1 : i32
    %sub3A_527 = arith.subi %div3A_506, %sub3A_526 : i32
    %select_n3A_528 = arith.select %and3A_525, %sub3A_527, %div3A_506 : i32
    %mul3A_529 = arith.constant 16 : i32
    %mul3A_530 = arith.muli %select_n3A_528, %mul3A_529 : i32
    %dma_wait3A_531 = arith.constant 384 : i32
    %dma_wait3A_532 = arith.constant 0 : i32
    %dma_wait3A_533 = tpu.memref_slice %arg10[%dma_wait3A_531, %dma_wait3A_532] : memref<512x16xf32, #tpu.memory_space<vmem>> -> memref<128x16xf32, #tpu.memory_space<vmem>>
    %dma_wait3A_534 = arith.constant 384 : i32
    %dma_wait3A_535 = tpu.memref_slice %arg8[%dma_wait3A_534] : memref<512xi32, #tpu.memory_space<vmem>> -> memref<128xi32, #tpu.memory_space<vmem>>
    %dma_wait3A_536 = arith.constant 0 : i32
    %dma_wait3A_537 = arith.constant 0 : i32
    %dma_wait3A_538 = tpu.memref_slice %arg2[%dma_wait3A_536, %dma_wait3A_537] : memref<1000x16xf32, #tpu.memory_space<hbm>> -> memref<1000x16xf32, #tpu.memory_space<hbm>>
    tpu.wait_indirect_dma semaphore(%arg16 : memref<!tpu.dma_semaphore, #tpu.memory_space<semaphore_mem>>) src(%dma_wait3A_538 : memref<1000x16xf32, #tpu.memory_space<hbm>>) dst(%dma_wait3A_533 : memref<128x16xf32, #tpu.memory_space<vmem>>)
    %dma_wait3A_539 = arith.constant 384 : i32
    %dma_wait3A_540 = arith.constant 0 : i32
    %dma_wait3A_541 = tpu.memref_slice %arg11[%dma_wait3A_539, %dma_wait3A_540] : memref<512x16xf32, #tpu.memory_space<vmem>> -> memref<128x16xf32, #tpu.memory_space<vmem>>
    %dma_wait3A_542 = arith.constant 384 : i32
    %dma_wait3A_543 = tpu.memref_slice %arg9[%dma_wait3A_542] : memref<512xi32, #tpu.memory_space<vmem>> -> memref<128xi32, #tpu.memory_space<vmem>>
    %dma_wait3A_544 = arith.constant 0 : i32
    %dma_wait3A_545 = arith.constant 0 : i32
    %dma_wait3A_546 = tpu.memref_slice %arg3[%dma_wait3A_544, %dma_wait3A_545] : memref<1000x16xf32, #tpu.memory_space<hbm>> -> memref<1000x16xf32, #tpu.memory_space<hbm>>
    tpu.wait_indirect_dma semaphore(%arg16 : memref<!tpu.dma_semaphore, #tpu.memory_space<semaphore_mem>>) src(%dma_wait3A_546 : memref<1000x16xf32, #tpu.memory_space<hbm>>) dst(%dma_wait3A_541 : memref<128x16xf32, #tpu.memory_space<vmem>>)
    %dma_start3A_547 = arith.constant 384 : i32
    %dma_start3A_548 = arith.constant 0 : i32
    %dma_start3A_549 = tpu.memref_slice %arg10[%dma_start3A_547, %dma_start3A_548] : memref<512x16xf32, #tpu.memory_space<vmem>> -> memref<128x16xf32, #tpu.memory_space<vmem>>
    %dma_start3A_550 = tpu.memref_slice %arg6[%add3A_504, %mul3A_530] : memref<2048x128xf32, #tpu.memory_space<hbm>> -> memref<128x16xf32, #tpu.memory_space<hbm>>
    %dma_start3A_551 = tpu.memref_slice %arg6[%add3A_504, %mul3A_530] : memref<2048x128xf32, #tpu.memory_space<hbm>> -> memref<128x16xf32, #tpu.memory_space<hbm>>
    %dma_start3A_552 = arith.constant 384 : i32
    %dma_start3A_553 = arith.constant 0 : i32
    %dma_start3A_554 = tpu.memref_slice %arg10[%dma_start3A_552, %dma_start3A_553] : memref<512x16xf32, #tpu.memory_space<vmem>> -> memref<128x16xf32, #tpu.memory_space<vmem>>
    tpu.enqueue_dma source(%dma_start3A_554 : memref<128x16xf32, #tpu.memory_space<vmem>>) target(%dma_start3A_551 : memref<128x16xf32, #tpu.memory_space<hbm>>) target_semaphore(%arg12 : memref<!tpu.dma_semaphore, #tpu.memory_space<semaphore_mem>>)
    %dma_start3A_555 = arith.constant 384 : i32
    %dma_start3A_556 = arith.constant 0 : i32
    %dma_start3A_557 = tpu.memref_slice %arg11[%dma_start3A_555, %dma_start3A_556] : memref<512x16xf32, #tpu.memory_space<vmem>> -> memref<128x16xf32, #tpu.memory_space<vmem>>
    %dma_start3A_558 = tpu.memref_slice %arg7[%add3A_504, %mul3A_530] : memref<2048x128xf32, #tpu.memory_space<hbm>> -> memref<128x16xf32, #tpu.memory_space<hbm>>
    %dma_start3A_559 = tpu.memref_slice %arg7[%add3A_504, %mul3A_530] : memref<2048x128xf32, #tpu.memory_space<hbm>> -> memref<128x16xf32, #tpu.memory_space<hbm>>
    %dma_start3A_560 = arith.constant 384 : i32
    %dma_start3A_561 = arith.constant 0 : i32
    %dma_start3A_562 = tpu.memref_slice %arg11[%dma_start3A_560, %dma_start3A_561] : memref<512x16xf32, #tpu.memory_space<vmem>> -> memref<128x16xf32, #tpu.memory_space<vmem>>
    tpu.enqueue_dma source(%dma_start3A_562 : memref<128x16xf32, #tpu.memory_space<vmem>>) target(%dma_start3A_559 : memref<128x16xf32, #tpu.memory_space<hbm>>) target_semaphore(%arg12 : memref<!tpu.dma_semaphore, #tpu.memory_space<semaphore_mem>>)
    %dma_wait3A_563 = arith.constant 0 : i32
    %dma_wait3A_564 = arith.constant 0 : i32
    %dma_wait3A_565 = tpu.memref_slice %arg10[%dma_wait3A_563, %dma_wait3A_564] : memref<512x16xf32, #tpu.memory_space<vmem>> -> memref<128x16xf32, #tpu.memory_space<vmem>>
    %dma_wait3A_566 = tpu.memref_slice %arg6[%add3A_129, %mul3A_155] : memref<2048x128xf32, #tpu.memory_space<hbm>> -> memref<128x16xf32, #tpu.memory_space<hbm>>
    %dma_wait3A_567 = tpu.memref_slice %arg6[%add3A_129, %mul3A_155] : memref<2048x128xf32, #tpu.memory_space<hbm>> -> memref<128x16xf32, #tpu.memory_space<hbm>>
    %dma_wait3A_568 = arith.constant 0 : i32
    %dma_wait3A_569 = arith.constant 0 : i32
    %dma_wait3A_570 = tpu.memref_slice %arg10[%dma_wait3A_568, %dma_wait3A_569] : memref<512x16xf32, #tpu.memory_space<vmem>> -> memref<128x16xf32, #tpu.memory_space<vmem>>
    tpu.wait_dma2 semaphore(%arg12 : memref<!tpu.dma_semaphore, #tpu.memory_space<semaphore_mem>>) src(%dma_wait3A_570 : memref<128x16xf32, #tpu.memory_space<vmem>>) dst(%dma_wait3A_567 : memref<128x16xf32, #tpu.memory_space<hbm>>)
    %dma_wait3A_571 = arith.constant 0 : i32
    %dma_wait3A_572 = arith.constant 0 : i32
    %dma_wait3A_573 = tpu.memref_slice %arg11[%dma_wait3A_571, %dma_wait3A_572] : memref<512x16xf32, #tpu.memory_space<vmem>> -> memref<128x16xf32, #tpu.memory_space<vmem>>
    %dma_wait3A_574 = tpu.memref_slice %arg7[%add3A_129, %mul3A_155] : memref<2048x128xf32, #tpu.memory_space<hbm>> -> memref<128x16xf32, #tpu.memory_space<hbm>>
    %dma_wait3A_575 = tpu.memref_slice %arg7[%add3A_129, %mul3A_155] : memref<2048x128xf32, #tpu.memory_space<hbm>> -> memref<128x16xf32, #tpu.memory_space<hbm>>
    %dma_wait3A_576 = arith.constant 0 : i32
    %dma_wait3A_577 = arith.constant 0 : i32
    %dma_wait3A_578 = tpu.memref_slice %arg11[%dma_wait3A_576, %dma_wait3A_577] : memref<512x16xf32, #tpu.memory_space<vmem>> -> memref<128x16xf32, #tpu.memory_space<vmem>>
    tpu.wait_dma2 semaphore(%arg12 : memref<!tpu.dma_semaphore, #tpu.memory_space<semaphore_mem>>) src(%dma_wait3A_578 : memref<128x16xf32, #tpu.memory_space<vmem>>) dst(%dma_wait3A_575 : memref<128x16xf32, #tpu.memory_space<hbm>>)
    %dma_wait3A_579 = arith.constant 128 : i32
    %dma_wait3A_580 = arith.constant 0 : i32
    %dma_wait3A_581 = tpu.memref_slice %arg10[%dma_wait3A_579, %dma_wait3A_580] : memref<512x16xf32, #tpu.memory_space<vmem>> -> memref<128x16xf32, #tpu.memory_space<vmem>>
    %dma_wait3A_582 = tpu.memref_slice %arg6[%add3A_254, %mul3A_280] : memref<2048x128xf32, #tpu.memory_space<hbm>> -> memref<128x16xf32, #tpu.memory_space<hbm>>
    %dma_wait3A_583 = tpu.memref_slice %arg6[%add3A_254, %mul3A_280] : memref<2048x128xf32, #tpu.memory_space<hbm>> -> memref<128x16xf32, #tpu.memory_space<hbm>>
    %dma_wait3A_584 = arith.constant 128 : i32
    %dma_wait3A_585 = arith.constant 0 : i32
    %dma_wait3A_586 = tpu.memref_slice %arg10[%dma_wait3A_584, %dma_wait3A_585] : memref<512x16xf32, #tpu.memory_space<vmem>> -> memref<128x16xf32, #tpu.memory_space<vmem>>
    tpu.wait_dma2 semaphore(%arg12 : memref<!tpu.dma_semaphore, #tpu.memory_space<semaphore_mem>>) src(%dma_wait3A_586 : memref<128x16xf32, #tpu.memory_space<vmem>>) dst(%dma_wait3A_583 : memref<128x16xf32, #tpu.memory_space<hbm>>)
    %dma_wait3A_587 = arith.constant 128 : i32
    %dma_wait3A_588 = arith.constant 0 : i32
    %dma_wait3A_589 = tpu.memref_slice %arg11[%dma_wait3A_587, %dma_wait3A_588] : memref<512x16xf32, #tpu.memory_space<vmem>> -> memref<128x16xf32, #tpu.memory_space<vmem>>
    %dma_wait3A_590 = tpu.memref_slice %arg7[%add3A_254, %mul3A_280] : memref<2048x128xf32, #tpu.memory_space<hbm>> -> memref<128x16xf32, #tpu.memory_space<hbm>>
    %dma_wait3A_591 = tpu.memref_slice %arg7[%add3A_254, %mul3A_280] : memref<2048x128xf32, #tpu.memory_space<hbm>> -> memref<128x16xf32, #tpu.memory_space<hbm>>
    %dma_wait3A_592 = arith.constant 128 : i32
    %dma_wait3A_593 = arith.constant 0 : i32
    %dma_wait3A_594 = tpu.memref_slice %arg11[%dma_wait3A_592, %dma_wait3A_593] : memref<512x16xf32, #tpu.memory_space<vmem>> -> memref<128x16xf32, #tpu.memory_space<vmem>>
    tpu.wait_dma2 semaphore(%arg12 : memref<!tpu.dma_semaphore, #tpu.memory_space<semaphore_mem>>) src(%dma_wait3A_594 : memref<128x16xf32, #tpu.memory_space<vmem>>) dst(%dma_wait3A_591 : memref<128x16xf32, #tpu.memory_space<hbm>>)
    %dma_wait3A_595 = arith.constant 256 : i32
    %dma_wait3A_596 = arith.constant 0 : i32
    %dma_wait3A_597 = tpu.memref_slice %arg10[%dma_wait3A_595, %dma_wait3A_596] : memref<512x16xf32, #tpu.memory_space<vmem>> -> memref<128x16xf32, #tpu.memory_space<vmem>>
    %dma_wait3A_598 = tpu.memref_slice %arg6[%add3A_379, %mul3A_405] : memref<2048x128xf32, #tpu.memory_space<hbm>> -> memref<128x16xf32, #tpu.memory_space<hbm>>
    %dma_wait3A_599 = tpu.memref_slice %arg6[%add3A_379, %mul3A_405] : memref<2048x128xf32, #tpu.memory_space<hbm>> -> memref<128x16xf32, #tpu.memory_space<hbm>>
    %dma_wait3A_600 = arith.constant 256 : i32
    %dma_wait3A_601 = arith.constant 0 : i32
    %dma_wait3A_602 = tpu.memref_slice %arg10[%dma_wait3A_600, %dma_wait3A_601] : memref<512x16xf32, #tpu.memory_space<vmem>> -> memref<128x16xf32, #tpu.memory_space<vmem>>
    tpu.wait_dma2 semaphore(%arg12 : memref<!tpu.dma_semaphore, #tpu.memory_space<semaphore_mem>>) src(%dma_wait3A_602 : memref<128x16xf32, #tpu.memory_space<vmem>>) dst(%dma_wait3A_599 : memref<128x16xf32, #tpu.memory_space<hbm>>)
    %dma_wait3A_603 = arith.constant 256 : i32
    %dma_wait3A_604 = arith.constant 0 : i32
    %dma_wait3A_605 = tpu.memref_slice %arg11[%dma_wait3A_603, %dma_wait3A_604] : memref<512x16xf32, #tpu.memory_space<vmem>> -> memref<128x16xf32, #tpu.memory_space<vmem>>
    %dma_wait3A_606 = tpu.memref_slice %arg7[%add3A_379, %mul3A_405] : memref<2048x128xf32, #tpu.memory_space<hbm>> -> memref<128x16xf32, #tpu.memory_space<hbm>>
    %dma_wait3A_607 = tpu.memref_slice %arg7[%add3A_379, %mul3A_405] : memref<2048x128xf32, #tpu.memory_space<hbm>> -> memref<128x16xf32, #tpu.memory_space<hbm>>
    %dma_wait3A_608 = arith.constant 256 : i32
    %dma_wait3A_609 = arith.constant 0 : i32
    %dma_wait3A_610 = tpu.memref_slice %arg11[%dma_wait3A_608, %dma_wait3A_609] : memref<512x16xf32, #tpu.memory_space<vmem>> -> memref<128x16xf32, #tpu.memory_space<vmem>>
    tpu.wait_dma2 semaphore(%arg12 : memref<!tpu.dma_semaphore, #tpu.memory_space<semaphore_mem>>) src(%dma_wait3A_610 : memref<128x16xf32, #tpu.memory_space<vmem>>) dst(%dma_wait3A_607 : memref<128x16xf32, #tpu.memory_space<hbm>>)
    %dma_wait3A_611 = arith.constant 384 : i32
    %dma_wait3A_612 = arith.constant 0 : i32
    %dma_wait3A_613 = tpu.memref_slice %arg10[%dma_wait3A_611, %dma_wait3A_612] : memref<512x16xf32, #tpu.memory_space<vmem>> -> memref<128x16xf32, #tpu.memory_space<vmem>>
    %dma_wait3A_614 = tpu.memref_slice %arg6[%add3A_504, %mul3A_530] : memref<2048x128xf32, #tpu.memory_space<hbm>> -> memref<128x16xf32, #tpu.memory_space<hbm>>
    %dma_wait3A_615 = tpu.memref_slice %arg6[%add3A_504, %mul3A_530] : memref<2048x128xf32, #tpu.memory_space<hbm>> -> memref<128x16xf32, #tpu.memory_space<hbm>>
    %dma_wait3A_616 = arith.constant 384 : i32
    %dma_wait3A_617 = arith.constant 0 : i32
    %dma_wait3A_618 = tpu.memref_slice %arg10[%dma_wait3A_616, %dma_wait3A_617] : memref<512x16xf32, #tpu.memory_space<vmem>> -> memref<128x16xf32, #tpu.memory_space<vmem>>
    tpu.wait_dma2 semaphore(%arg12 : memref<!tpu.dma_semaphore, #tpu.memory_space<semaphore_mem>>) src(%dma_wait3A_618 : memref<128x16xf32, #tpu.memory_space<vmem>>) dst(%dma_wait3A_615 : memref<128x16xf32, #tpu.memory_space<hbm>>)
    %dma_wait3A_619 = arith.constant 384 : i32
    %dma_wait3A_620 = arith.constant 0 : i32
    %dma_wait3A_621 = tpu.memref_slice %arg11[%dma_wait3A_619, %dma_wait3A_620] : memref<512x16xf32, #tpu.memory_space<vmem>> -> memref<128x16xf32, #tpu.memory_space<vmem>>
    %dma_wait3A_622 = tpu.memref_slice %arg7[%add3A_504, %mul3A_530] : memref<2048x128xf32, #tpu.memory_space<hbm>> -> memref<128x16xf32, #tpu.memory_space<hbm>>
    %dma_wait3A_623 = tpu.memref_slice %arg7[%add3A_504, %mul3A_530] : memref<2048x128xf32, #tpu.memory_space<hbm>> -> memref<128x16xf32, #tpu.memory_space<hbm>>
    %dma_wait3A_624 = arith.constant 384 : i32
    %dma_wait3A_625 = arith.constant 0 : i32
    %dma_wait3A_626 = tpu.memref_slice %arg11[%dma_wait3A_624, %dma_wait3A_625] : memref<512x16xf32, #tpu.memory_space<vmem>> -> memref<128x16xf32, #tpu.memory_space<vmem>>
    tpu.wait_dma2 semaphore(%arg12 : memref<!tpu.dma_semaphore, #tpu.memory_space<semaphore_mem>>) src(%dma_wait3A_626 : memref<128x16xf32, #tpu.memory_space<vmem>>) dst(%dma_wait3A_623 : memref<128x16xf32, #tpu.memory_space<hbm>>)
    return
  }
}

module attributes {stable_mosaic.version = 14 : i64} {
  func.func @_mlp_body(%arg0: i32, %arg1: memref<4096xf32, #tpu.memory_space<vmem>>, %arg2: memref<4096xf32, #tpu.memory_space<vmem>>, %arg3: memref<512x128xf32, #tpu.memory_space<vmem>>, %arg4: memref<512x128xf32, #tpu.memory_space<vmem>>, %arg5: memref<34x256xf32, #tpu.memory_space<vmem>>, %arg6: memref<256xf32, #tpu.memory_space<vmem>>, %arg7: memref<256x128xf32, #tpu.memory_space<vmem>>, %arg8: memref<128xf32, #tpu.memory_space<vmem>>, %arg9: memref<4096x128xf32, #tpu.memory_space<vmem>>) attributes {dimension_semantics = [#tpu.dimension_semantics<parallel>], iteration_bounds = array<i64: 4>, scalar_prefetch = 0 : i64, scratch_operands = 0 : i64, tpu.core_type = #tpu.core_type<tc>, window_params = [{transform_indices = @transform_0, window_bounds = array<i64: 4096>}, {transform_indices = @transform_1, window_bounds = array<i64: 4096>}, {transform_indices = @transform_2, window_bounds = array<i64: 512, 128>}, {transform_indices = @transform_3, window_bounds = array<i64: 512, 128>}, {pipeline_mode = #tpu.pipeline_mode<synchronous>, transform_indices = @transform_4, window_bounds = array<i64: 34, 256>}, {pipeline_mode = #tpu.pipeline_mode<synchronous>, transform_indices = @transform_5, window_bounds = array<i64: 256>}, {pipeline_mode = #tpu.pipeline_mode<synchronous>, transform_indices = @transform_6, window_bounds = array<i64: 256, 128>}, {pipeline_mode = #tpu.pipeline_mode<synchronous>, transform_indices = @transform_7, window_bounds = array<i64: 128>}, {transform_indices = @transform_8, window_bounds = array<i64: 4096, 128>}]} {
    %get3A = arith.constant 2 : index
    %get3A_0 = arith.constant 0 : index
    %get3A_1 = vector.load %arg5[%get3A, %get3A_0] : memref<34x256xf32, #tpu.memory_space<vmem>>, vector<32x256xf32>
    %get3A_2 = arith.constant 0 : index
    %get3A_3 = arith.constant 0 : index
    %get3A_4 = vector.load %arg5[%get3A_2, %get3A_3] : memref<34x256xf32, #tpu.memory_space<vmem>>, vector<1x256xf32>
    %get3A_5 = arith.constant 1 : index
    %get3A_6 = arith.constant 0 : index
    %get3A_7 = vector.load %arg5[%get3A_5, %get3A_6] : memref<34x256xf32, #tpu.memory_space<vmem>>, vector<1x256xf32>
    %get3A_8 = arith.constant 0 : index
    %get3A_9 = vector.load %arg6[%get3A_8] : memref<256xf32, #tpu.memory_space<vmem>>, vector<256xf32>
    %reshape3A = vector.shape_cast %get3A_9 : vector<256xf32> to vector<1x256xf32>
    %get3A_10 = arith.constant 0 : index
    %get3A_11 = arith.constant 0 : index
    %get3A_12 = vector.load %arg7[%get3A_10, %get3A_11] : memref<256x128xf32, #tpu.memory_space<vmem>>, vector<256x128xf32>
    %get3A_13 = arith.constant 0 : index
    %get3A_14 = vector.load %arg8[%get3A_13] : memref<128xf32, #tpu.memory_space<vmem>>, vector<128xf32>
    %reshape3A_15 = vector.shape_cast %get3A_14 : vector<128xf32> to vector<1x128xf32>
    %get3A_16 = arith.constant 0 : index
    %get3A_17 = arith.constant 0 : index
    %get3A_18 = vector.load %arg3[%get3A_16, %get3A_17] : memref<512x128xf32, #tpu.memory_space<vmem>>, vector<512x128xf32>
    %get3A_19 = arith.constant 0 : index
    %get3A_20 = arith.constant 0 : index
    %get3A_21 = vector.load %arg4[%get3A_19, %get3A_20] : memref<512x128xf32, #tpu.memory_space<vmem>>, vector<512x128xf32>
    %slice3A = vector.extract_strided_slice %get3A_18 {offsets = [0, 0], sizes = [512, 16], strides = [1, 1]} : vector<512x128xf32> to vector<512x16xf32>
    %slice3A_22 = vector.extract_strided_slice %get3A_21 {offsets = [0, 0], sizes = [512, 16], strides = [1, 1]} : vector<512x128xf32> to vector<512x16xf32>
    %concatenate3A = tpu.concatenate %slice3A, %slice3A_22 in 1 : vector<512x16xf32>, vector<512x16xf32> -> vector<512x32xf32>
    %slice3A_23 = vector.extract_strided_slice %get3A_18 {offsets = [0, 16], sizes = [512, 16], strides = [1, 1]} : vector<512x128xf32> to vector<512x16xf32>
    %slice3A_24 = vector.extract_strided_slice %get3A_21 {offsets = [0, 16], sizes = [512, 16], strides = [1, 1]} : vector<512x128xf32> to vector<512x16xf32>
    %concatenate3A_25 = tpu.concatenate %slice3A_23, %slice3A_24 in 1 : vector<512x16xf32>, vector<512x16xf32> -> vector<512x32xf32>
    %slice3A_26 = vector.extract_strided_slice %get3A_18 {offsets = [0, 32], sizes = [512, 16], strides = [1, 1]} : vector<512x128xf32> to vector<512x16xf32>
    %slice3A_27 = vector.extract_strided_slice %get3A_21 {offsets = [0, 32], sizes = [512, 16], strides = [1, 1]} : vector<512x128xf32> to vector<512x16xf32>
    %concatenate3A_28 = tpu.concatenate %slice3A_26, %slice3A_27 in 1 : vector<512x16xf32>, vector<512x16xf32> -> vector<512x32xf32>
    %slice3A_29 = vector.extract_strided_slice %get3A_18 {offsets = [0, 48], sizes = [512, 16], strides = [1, 1]} : vector<512x128xf32> to vector<512x16xf32>
    %slice3A_30 = vector.extract_strided_slice %get3A_21 {offsets = [0, 48], sizes = [512, 16], strides = [1, 1]} : vector<512x128xf32> to vector<512x16xf32>
    %concatenate3A_31 = tpu.concatenate %slice3A_29, %slice3A_30 in 1 : vector<512x16xf32>, vector<512x16xf32> -> vector<512x32xf32>
    %slice3A_32 = vector.extract_strided_slice %get3A_18 {offsets = [0, 64], sizes = [512, 16], strides = [1, 1]} : vector<512x128xf32> to vector<512x16xf32>
    %slice3A_33 = vector.extract_strided_slice %get3A_21 {offsets = [0, 64], sizes = [512, 16], strides = [1, 1]} : vector<512x128xf32> to vector<512x16xf32>
    %concatenate3A_34 = tpu.concatenate %slice3A_32, %slice3A_33 in 1 : vector<512x16xf32>, vector<512x16xf32> -> vector<512x32xf32>
    %slice3A_35 = vector.extract_strided_slice %get3A_18 {offsets = [0, 80], sizes = [512, 16], strides = [1, 1]} : vector<512x128xf32> to vector<512x16xf32>
    %slice3A_36 = vector.extract_strided_slice %get3A_21 {offsets = [0, 80], sizes = [512, 16], strides = [1, 1]} : vector<512x128xf32> to vector<512x16xf32>
    %concatenate3A_37 = tpu.concatenate %slice3A_35, %slice3A_36 in 1 : vector<512x16xf32>, vector<512x16xf32> -> vector<512x32xf32>
    %slice3A_38 = vector.extract_strided_slice %get3A_18 {offsets = [0, 96], sizes = [512, 16], strides = [1, 1]} : vector<512x128xf32> to vector<512x16xf32>
    %slice3A_39 = vector.extract_strided_slice %get3A_21 {offsets = [0, 96], sizes = [512, 16], strides = [1, 1]} : vector<512x128xf32> to vector<512x16xf32>
    %concatenate3A_40 = tpu.concatenate %slice3A_38, %slice3A_39 in 1 : vector<512x16xf32>, vector<512x16xf32> -> vector<512x32xf32>
    %slice3A_41 = vector.extract_strided_slice %get3A_18 {offsets = [0, 112], sizes = [512, 16], strides = [1, 1]} : vector<512x128xf32> to vector<512x16xf32>
    %slice3A_42 = vector.extract_strided_slice %get3A_21 {offsets = [0, 112], sizes = [512, 16], strides = [1, 1]} : vector<512x128xf32> to vector<512x16xf32>
    %concatenate3A_43 = tpu.concatenate %slice3A_41, %slice3A_42 in 1 : vector<512x16xf32>, vector<512x16xf32> -> vector<512x32xf32>
    %concatenate3A_44 = tpu.concatenate %concatenate3A, %concatenate3A_25, %concatenate3A_28, %concatenate3A_31, %concatenate3A_34, %concatenate3A_37, %concatenate3A_40, %concatenate3A_43 in 0 : vector<512x32xf32>, vector<512x32xf32>, vector<512x32xf32>, vector<512x32xf32>, vector<512x32xf32>, vector<512x32xf32>, vector<512x32xf32>, vector<512x32xf32> -> vector<4096x32xf32>
    %convert_element_type3A = arith.truncf %concatenate3A_44 : vector<4096x32xf32> to vector<4096x32xbf16>
    %convert_element_type3A_45 = arith.truncf %get3A_1 : vector<32x256xf32> to vector<32x256xbf16>
    %dot_general3A = arith.constant dense<0.000000e+00> : vector<4096x256xf32>
    %dot_general3A_46 = tpu.matmul %convert_element_type3A, %convert_element_type3A_45, %dot_general3A {dimension_numbers = #tpu.dot_dimension_numbers<[1], [0], [0], [1], [0, 0, 1, 1], [], []>, transpose_lhs_hint = false} : vector<4096x32xbf16>, vector<32x256xbf16>, vector<4096x256xf32> -> vector<4096x256xf32>
    %get3A_47 = arith.constant 0 : index
    %get3A_48 = vector.load %arg1[%get3A_47] : memref<4096xf32, #tpu.memory_space<vmem>>, vector<4096xf32>
    %reshape3A_49 = vector.shape_cast %get3A_48 : vector<4096xf32> to vector<4096x1xf32>
    %mul3A = vector.broadcast %reshape3A_49 : vector<4096x1xf32> to vector<4096x256xf32>
    %mul3A_50 = vector.broadcast %get3A_4 : vector<1x256xf32> to vector<4096x256xf32>
    %mul3A_51 = arith.mulf %mul3A, %mul3A_50 : vector<4096x256xf32>
    %add3A = arith.addf %dot_general3A_46, %mul3A_51 : vector<4096x256xf32>
    %get3A_52 = arith.constant 0 : index
    %get3A_53 = vector.load %arg2[%get3A_52] : memref<4096xf32, #tpu.memory_space<vmem>>, vector<4096xf32>
    %reshape3A_54 = vector.shape_cast %get3A_53 : vector<4096xf32> to vector<4096x1xf32>
    %mul3A_55 = vector.broadcast %reshape3A_54 : vector<4096x1xf32> to vector<4096x256xf32>
    %mul3A_56 = vector.broadcast %get3A_7 : vector<1x256xf32> to vector<4096x256xf32>
    %mul3A_57 = arith.mulf %mul3A_55, %mul3A_56 : vector<4096x256xf32>
    %add3A_58 = arith.addf %add3A, %mul3A_57 : vector<4096x256xf32>
    %add3A_59 = vector.broadcast %reshape3A : vector<1x256xf32> to vector<4096x256xf32>
    %add3A_60 = arith.addf %add3A_58, %add3A_59 : vector<4096x256xf32>
    %max3A = arith.constant 0.000000e+00 : f32
    %max3A_61 = vector.broadcast %max3A : f32 to vector<4096x256xf32>
    %max3A_62 = arith.maximumf %add3A_60, %max3A_61 : vector<4096x256xf32>
    %convert_element_type3A_63 = arith.truncf %max3A_62 : vector<4096x256xf32> to vector<4096x256xbf16>
    %convert_element_type3A_64 = arith.truncf %get3A_12 : vector<256x128xf32> to vector<256x128xbf16>
    %dot_general3A_65 = arith.constant dense<0.000000e+00> : vector<4096x128xf32>
    %dot_general3A_66 = tpu.matmul %convert_element_type3A_63, %convert_element_type3A_64, %dot_general3A_65 {dimension_numbers = #tpu.dot_dimension_numbers<[1], [0], [0], [1], [0, 0, 1, 1], [], []>, transpose_lhs_hint = false} : vector<4096x256xbf16>, vector<256x128xbf16>, vector<4096x128xf32> -> vector<4096x128xf32>
    %add3A_67 = vector.broadcast %reshape3A_15 : vector<1x128xf32> to vector<4096x128xf32>
    %add3A_68 = arith.addf %dot_general3A_66, %add3A_67 : vector<4096x128xf32>
    %mul3A_69 = arith.mulf %add3A_68, %add3A_68 : vector<4096x128xf32>
    %reduce_sum3A = arith.constant dense<0.000000e+00> : vector<4096xf32>
    %reduce_sum3A_70 = vector.multi_reduction <add>, %mul3A_69, %reduce_sum3A [1] : vector<4096x128xf32> to vector<4096xf32>
    %broadcast_in_dim3A = vector.shape_cast %reduce_sum3A_70 : vector<4096xf32> to vector<4096x1xf32>
    %max3A_71 = arith.constant 1.000000e-24 : f32
    %max3A_72 = vector.broadcast %max3A_71 : f32 to vector<4096x1xf32>
    %max3A_73 = arith.maximumf %broadcast_in_dim3A, %max3A_72 : vector<4096x1xf32>
    %rsqrt3A = math.rsqrt %max3A_73 : vector<4096x1xf32>
    %mul3A_74 = vector.broadcast %rsqrt3A : vector<4096x1xf32> to vector<4096x128xf32>
    %mul3A_75 = arith.mulf %add3A_68, %mul3A_74 : vector<4096x128xf32>
    %swap3A = arith.constant 0 : index
    %swap3A_76 = arith.constant 0 : index
    %swap3A_77 = vector.load %arg9[%swap3A, %swap3A_76] : memref<4096x128xf32, #tpu.memory_space<vmem>>, vector<4096x128xf32>
    tpu.vector_store %arg9[%swap3A, %swap3A_76], %mul3A_75 {strides = array<i32>} : memref<4096x128xf32, #tpu.memory_space<vmem>>, vector<4096x128xf32>,
    return
  }
  func.func @transform_0(%arg0: i32) -> i32 {
    %c0_i32 = arith.constant 0 : i32
    return %arg0 : i32
  }
  func.func @transform_1(%arg0: i32) -> i32 {
    %c0_i32 = arith.constant 0 : i32
    return %arg0 : i32
  }
  func.func @transform_2(%arg0: i32) -> (i32, i32) {
    %c0_i32 = arith.constant 0 : i32
    %c0_i32_0 = arith.constant 0 : i32
    return %arg0, %c0_i32 : i32, i32
  }
  func.func @transform_3(%arg0: i32) -> (i32, i32) {
    %c0_i32 = arith.constant 0 : i32
    %c0_i32_0 = arith.constant 0 : i32
    return %arg0, %c0_i32 : i32, i32
  }
  func.func @transform_4(%arg0: i32) -> (i32, i32) {
    %c0_i32 = arith.constant 0 : i32
    %c0_i32_0 = arith.constant 0 : i32
    %c0_i32_1 = arith.constant 0 : i32
    return %c0_i32, %c0_i32_0 : i32, i32
  }
  func.func @transform_5(%arg0: i32) -> i32 {
    %c0_i32 = arith.constant 0 : i32
    %c0_i32_0 = arith.constant 0 : i32
    return %c0_i32 : i32
  }
  func.func @transform_6(%arg0: i32) -> (i32, i32) {
    %c0_i32 = arith.constant 0 : i32
    %c0_i32_0 = arith.constant 0 : i32
    %c0_i32_1 = arith.constant 0 : i32
    return %c0_i32, %c0_i32_0 : i32, i32
  }
  func.func @transform_7(%arg0: i32) -> i32 {
    %c0_i32 = arith.constant 0 : i32
    %c0_i32_0 = arith.constant 0 : i32
    return %c0_i32 : i32
  }
  func.func @transform_8(%arg0: i32) -> (i32, i32) {
    %c0_i32 = arith.constant 0 : i32
    %c0_i32_0 = arith.constant 0 : i32
    return %arg0, %c0_i32 : i32, i32
  }
}

</mosaic_0001>

<sc_bundles>
// kernel: kernel.4.cloned.1.call-start
scs
__scs_entry_jumppad:
0x0: {  	(pc) =	sbr.rel $0x88, $3  }
0x1: {  	(tag) =	ssettag $0x0;
	lr =	simm.s32 $0x1  }
0x2: {  	[smem:$0x3F97] =	sst lr;
	_ =	strace $0xD0000000  }
0x3: {  	_ = 	snop  }
0x4: {  	_ = 	snop  }
0x5: {  	_ = 	snop  }
0x6: {  	_ = 	snop  }
0x7: {  	_ = 	snop  }
__scs_overlays_trampoline_lowered:
0x8: {  	[smem:$0x3FA6] =	sst s0  }
0x9: {  	[smem:$0x3FA7] =	sst s1  }
0xa: {  	[smem:$0x3FA8] =	sst s2  }
0xb: {  	[smem:$0x3FA9] =	sst s3  }
0xc: {  	[smem:$0x3FAA] =	sst s4  }
0xd: {  	[smem:$0x3FAB] =	sst s5  }
0xe: {  	[smem:$0x3FAC] =	sst s6  }
0xf: {  	[smem:$0x3FAD] =	sst s7  }
0x10: {  	[smem:$0x3FAE] =	sst s8  }
0x11: {  	[smem:$0x3FAF] =	sst s9;
	s0 =	simm.s32 @!p0 $0x0  }
0x12: {  	s1 =	sld [smem:$0x3F95];
	s0 =	simm.s32 @p0 $0x1  }
0x13: {  	[smem:$0x3FB0] =	sst s0;
	s0 =	simm.s32 @!p1 $0x0  }
0x14: {  	s2 =	sld [smem:$0x3F94];
	s0 =	simm.s32 @p1 $0x1  }
0x15: {  	[smem:$0x3FB1] =	sst s0;
	s0 =	simm.s32 @!p2 $0x0  }
0x16: {  	s3 =	sld [smem:$0x3FDB];
	s0 =	simm.s32 @p2 $0x1  }
0x17: {  	s4 =	simm.s32 $0x1BF5;
	[smem:$0x3FB3] =	sst s0  }
0x18: {  	s0 =	sld [smem:$0x3F96];
	_ =	swait.ge [sflag:s4], $0x0  }
0x19: {  	s7 =	sld [smem:$0x3F97]  }
0x1a: {  	s8 =	sadd.s32 $0xFFFFE003, lr  }
0x1b: {  	s9 =	sadd.s32 $0xFFFFFEF7, lr;
	s5 =	simm.s32 $0xFFFFFFFF;
	p2 =	slt.u32 s8, $0xFFFFF086  }
0x1c: {  	p1 =	slt.u32 s9, $0xF7A;
	s5 =	simm.s32 @!p2 $0x0  }
0x1d: {  	s5 =	simm.s32 @p1 $0x1;
	p0 =	seq.s32 s7, s2  }
0x1e: {  	s7 =	smul.u32 @!p0 $0xF7A, s2;
	p2 =	seq.s32 @!p0 s5, $0x0  }
0x1f: {  	s9 =	smul.u32 $0xF7A, s1;
	s8 =	simm.s32 @!p0 $0x1BF5;
	p2 =	por !p2, p0  }
0x20: {  	[sflag:s8] =	ssyncset.s32 @!p0 $0xFFFFF086;
	s6 =	sadd.s32 @!p0 s3, s7;
	s7 =	simm.s32 @!p0 $0x108  }
0x21: {  	s3 =	sadd.s32 s3, s9;
	s6 =	sadd.s32 @!p0 $0x88, s6;
	s7 =	simm.s32 @p2 $0x1082  }
0x22: {  	[simem:s7], [sflag:s8] =	dma.local @!p0 [hbm:s6], $0xF7A  }
0x23: {  	s9 =	sor.u32 $0xD0000000, s2;
	s6 =	simm.s32 $0x108;
	_ =	swait.ge @!p0 [sflag:s8], $0x0  }
0x24: {  	s3 =	sadd.s32 $0x88, s3;
	s6 =	simm.s32 @!p1 $0x1082;
	[sflag:s4] =	ssyncset.s32 $0xFFFFF086  }
0x25: {  	[simem:s6], [sflag:s4] =	dma.local [hbm:s3], $0xF7A  }
0x26: {  	[smem:$0x3F97] =	sst s1;
	(tag) =	ssettag s2;
	_ =	strace s9  }
0x27: {  	s1 =	sld [smem:$0x3FA7]  }
0x28: {  	s2 =	sld [smem:$0x3FA8]  }
0x29: {  	s4 =	sld [smem:$0x3FAA]  }
0x2a: {  	p0 =	seq.s32 s5, $0x0;
	s5 =	sld [smem:$0x3FAB]  }
0x2b: {  	s6 =	sld [smem:$0x3FAC]  }
0x2c: {  	s7 =	sld [smem:$0x3FAD]  }
0x2d: {  	s3 =	simm.s32 $0x108;
	s8 =	sld [smem:$0x3FAE]  }
0x2e: {  	s3 =	simm.s32 @!p0 $0x1082;
	s9 =	sld [smem:$0x3FAF]  }
0x2f: {  	lr =	sadd.s32 s0, s3;
	s0 =	sld [smem:$0x3FA6]  }
0x30: {  	s3 =	sld [smem:$0x3FA9]  }
0x31: {  	[smem:$0x3FB2] =	sst s10  }
0x32: {  	s10 =	sld [smem:$0x3FB0];
	_ =	sdelay $0x3  }
0x33: {  	p0 =	seq.s32 s10, $0x1;
	s10 =	sld [smem:$0x3FB2];
	_ =	sdelay $0x3  }
0x34: {  	[smem:$0x3FB2] =	sst s10  }
0x35: {  	s10 =	sld [smem:$0x3FB1];
	_ =	sdelay $0x3  }
0x36: {  	p1 =	seq.s32 s10, $0x1;
	s10 =	sld [smem:$0x3FB2];
	_ =	sdelay $0x3  }
0x37: {  	[smem:$0x3FB2] =	sst s10  }
0x38: {  	s10 =	sld [smem:$0x3FB3]  }
0x39: {  	_ = 	snop;
	(pc) =	sbr.ind lr, $3  }
0x3a: {  	_ = 	snop  }
0x3b: {  	_ = 	snop  }
0x3c: {  	p2 =	seq.s32 s10, $0x1;
	s10 =	sld [smem:$0x3FB2]  }
0x3d: {  	_ =	shalt  }
0x3e: {  	_ =	shalt  }
0x3f: {  	_ =	shalt  }
0x40: {  	_ =	shalt  }
0x41: {  	_ =	shalt  }
0x42: {  	_ =	shalt  }
0x43: {  	_ =	shalt  }
0x44: {  	_ =	shalt  }
0x45: {  	_ =	shalt  }
0x46: {  	_ =	shalt  }
0x47: {  	_ =	shalt  }
0x48: {  	_ =	shalt  }
0x49: {  	_ =	shalt  }
0x4a: {  	_ =	shalt  }
0x4b: {  	_ =	shalt  }
0x4c: {  	_ =	shalt  }
0x4d: {  	_ =	shalt  }
0x4e: {  	_ =	shalt  }
0x4f: {  	_ =	shalt  }
0x50: {  	_ =	shalt  }
0x51: {  	_ =	shalt  }
0x52: {  	_ =	shalt  }
0x53: {  	_ =	shalt  }
0x54: {  	_ =	shalt  }
0x55: {  	_ =	shalt  }
0x56: {  	_ =	shalt  }
0x57: {  	_ =	shalt  }
0x58: {  	_ =	shalt  }
0x59: {  	_ =	shalt  }
0x5a: {  	_ =	shalt  }
0x5b: {  	_ =	shalt  }
0x5c: {  	_ =	shalt  }
0x5d: {  	_ =	shalt  }
0x5e: {  	_ =	shalt  }
0x5f: {  	_ =	shalt  }
0x60: {  	_ =	shalt  }
0x61: {  	_ =	shalt  }
0x62: {  	_ =	shalt  }
0x63: {  	_ =	shalt  }
0x64: {  	_ =	shalt  }
0x65: {  	_ =	shalt  }
0x66: {  	_ =	shalt  }
0x67: {  	_ =	shalt  }
0x68: {  	_ =	shalt  }
0x69: {  	_ =	shalt  }
0x6a: {  	_ =	shalt  }
0x6b: {  	_ =	shalt  }
0x6c: {  	_ =	shalt  }
0x6d: {  	_ =	shalt  }
0x6e: {  	_ =	shalt  }
0x6f: {  	_ =	shalt  }
0x70: {  	_ =	shalt  }
0x71: {  	_ =	shalt  }
0x72: {  	_ =	shalt  }
0x73: {  	_ =	shalt  }
0x74: {  	_ =	shalt  }
0x75: {  	_ =	shalt  }
0x76: {  	_ =	shalt  }
0x77: {  	_ =	shalt  }
0x78: {  	_ =	shalt  }
0x79: {  	_ =	shalt  }
0x7a: {  	_ =	shalt  }
0x7b: {  	_ =	shalt  }
0x7c: {  	_ =	shalt  }
0x7d: {  	_ =	shalt  }
0x7e: {  	_ =	shalt  }
0x7f: {  	_ =	shalt  }
0x80: {  	_ =	shalt  }
0x81: {  	_ =	shalt  }
0x82: {  	_ =	shalt  }
0x83: {  	_ =	shalt  }
0x84: {  	_ =	shalt  }
0x85: {  	_ =	shalt  }
0x86: {  	_ =	shalt  }
0x87: {  	_ =	shalt  }
.Lfunc_end0:
.L_simem_size_0:
called_computation_lowered:
.L_overlay_start_0:
0x88: {  	s2 =	sld [smem:$0x3FD9]  }
0x89: {  	s3 =	sld [smem:$0x3FFE];
	_ =	sdelay $0x1  }
0x8a: {  	s1 =	srdreg.scid  }
0x8b: {  	s0 =	sand.u32 $0x1, s1  }
0x8c: {  	s17 =	sshll.u32 s0, $0xA;
	s2 =	sadd.s32 s3, s2  }
0x8d: {  	s2 =	sadd.s32 s2, s17  }
0x8e: {  	[smem:$0x3FBE] =	sst s2  }
0x8f: {  	_ = 	snop  }
0x90: {  	s2 =	sld [smem:$0x3FC7]  }
0x91: {  	s18 =	sld [smem:$0x3FC6]  }
0x92: {  	s4 =	sld [smem:$0x3FD0];
	(tm) =	ssettm $0x1  }
0x93: {  	s5 =	sld [smem:$0x3FFB];
	_ =	sdelay $0x3  }
0x94: {  	_ =	strace s5  }
0x95: {  	s5 =	sld [smem:$0x3FFC];
	_ =	sdelay $0x3  }
0x96: {  	_ =	strace s5  }
0x97: {  	s5 =	sld [smem:$0x3FFD];
	_ =	sdelay $0x3  }
0x98: {  	_ =	strace s5  }
0x99: {  	_ =	strace $0x8FFFFFFF  }
0x9a: {  	s19 =	sld [smem:$0x3FDB];
	_ =	sdelay $0x1  }
0x9b: {  	s6 =	simm.s32 $_scs_section_size  }
0x9c: {  	s7 =	simm.s32 $_size__tile_overlayer_lowered;
	s8 =	simm.s32 $_tile_overlayer_lowered  }
0x9d: {  	s22 =	simm.s32 $0x1BFF;
	s21 =	sshll.u32 s8, $0x1;
	s5 =	sadd.s32 s6, s19  }
0x9e: {  	s9 =	simm.s32 $0x0;
	s20 =	sshll.u32 s7, $0x1;
	s7 =	sadd.s32 s21, s5  }
0x9f: {  	[timem:s9], [sflag:s22] =	dma.local [hbm:s7], s20  }
0xa0: {  	_ =	swait.ge [sflag:s22], s20  }
0xa1: {  	s6 =	ssub.s32 $0x0, s20;
	[sflag:s22] =	ssyncset.done $0x0  }
0xa2: {  	[sflag:s22] =	ssyncadd.s32 s6;
	_ =	sdelay $0x1  }
0xa3: {  	s23 =	simm.s32 $0x1B8B  }
0xa4: {  	_ =	swait.ge [sflag:s23], $0x1  }
0xa5: {  	[sflag:s23] =	ssyncset.done $0x0  }
0xa6: {  	s25 =	simm.s32 $0x1B8E;
	s24 =	sld [smem:$0x3FFE];
	[sflag:s23] =	ssyncadd.s32 $0xFFFFFFFF  }
0xa7: {  	s26 =	simm.s32 $execute0_lowered;
	[smem:$0x3FD2] =	sst s25  }
0xa8: {  	s7 =	sshll.u32 s26, $0x1;
	_ =	strace $0x80000046;
	[dreg:$0x1] =	wrdreg $0xFFFFFFFF  }
0xa9: {  	s28 =	simm.s32 $_size_execute0_lowered;
	s5 =	sadd.s32 s5, s7;
	[dreg:$0x0] =	wrdreg $0x0  }
0xaa: {  	s7 =	sshll.u32 s28, $0x1;
	[dreg:$0x2] =	wrdreg s5  }
0xab: {  	[dreg:$0x3] =	wrdreg s7  }
0xac: {  	[dreg:$0x4] =	wrdreg $0xC0  }
0xad: {  	_ =	task [dreg:s9], $0x5FFFF  }
0xae: {  	[dreg:$0x1] =	wrdreg $0xFFFFFFFF  }
0xaf: {  	[dreg:$0x0] =	wrdreg $0x60  }
0xb0: {  	[dreg:$0x2] =	wrdreg s24  }
0xb1: {  	[dreg:$0x3] =	wrdreg s2  }
0xb2: {  	[dreg:$0x4] =	wrdreg s18  }
0xb3: {  	[dreg:$0x5] =	wrdreg s4  }
0xb4: {  	[dreg:$0x6] =	wrdreg $0x9  }
0xb5: {  	_ =	task.clear_ibuf [dreg:s9], $0x7FFFF;
	_ =	strace $0x90000046  }
0xb6: {  	s29 =	simm.s32 $0x9;
	_ =	strace $0x80000048  }
0xb7: {  	_ =	swait.ge [sflag:s29], $0x1  }
0xb8: {  	[sflag:s29] =	ssyncadd.s32 $0xFFFFFFFF  }
0xb9: {  	_ =	strace $0x90000048  }
0xba: {  	_ =	sfence  }
0xbb: {  	s30 =	sld [smem:$0x0];
	_ =	sdelay $0x2  }
0xbc: {  	s31 =	sshll.u32 s1, $0xD;
	s1 =	sshrl.u32 s1, $0x2  }
0xbd: {  	s3 =	sand.u32 $0x4000, s31;
	s1 =	sadd.s32 s1, s30  }
0xbe: {  	s0 =	sor.u32 s3, s0;
	s1 =	sshll.u32 s1, $0x11  }
0xbf: {  	s0 =	sor.u32 s1, s0  }
0xc0: {  	s0 =	sadd.s32 $0x8F2B, s0  }
0xc1: {  	[sflag:s0] =	ssyncadd.remote.s32 $0x1  }
0xc2: {  	_ =	sfence.sel $0xFFFF  }
0xc3: {  	[dreg:$0x0] =	wrdreg $0xFFFFFFFF;
	(pc) =	sbr.abs _section_cstart, $3  }
0xc4: {  	[dreg:$0x1] =	wrdreg $0xFFFFFFFF  }
0xc5: {  	_ =	task.clear_ibuf [dreg:s9], $0x2FFFF;
	_ =	strace $0x9FFFFFFF  }
0xc6: {  	(tm) =	ssettm $0x7FFFFFFF  }
0xc7: {  	_ =	shalt  }
tec
execute0_lowered:
.L_overlay_start_1:
0x0: {  	(tag) =	ssettag $0x1  }
0x1: {  	s0 =	rddreg [dreg:$0x0]  }
0x2: {  	s1 =	rddreg [dreg:$0x1]  }
0x3: {  	s2 =	rddreg [dreg:$0x2]  }
0x4: {  	s3 =	rddreg [dreg:$0x3]  }
0x5: {  	s25 =	rddreg [dreg:$0x4]  }
0x6: {  	s8 =	simm.s32 $0x0;
	s4 =	srdreg.scid;
	s7 =	stileid.u32  }
0x7: {  	s16 =	simm.s32 $0xC00;
	s17 =	simm.s32 $0x2C00;
	s28 =	simm.s32 $0x100  }
0x8: {  	s12 =	simm.s32 $0x1400;
	s30 =	simm.s32 $0x300;
	s14 =	simm.s32 $0x3400  }
0x9: {  	s31 =	simm.s32 $0x180;
	p0 =	por $0x0, $0x0;
	s13 =	simm.s32 $0x3C00  }
0xa: {  	s29 =	simm.s32 $0x2;
	s15 =	simm.s32 $0x10;
	[smem:$0x7FF] =	sst s8  }
0xb: {  	s4 =	sand.u32 $0x1, s4;
	s5 =	sshll.u32 s7, $0x1;
	s9 =	sadd.s32 $0x1800, s0  }
0xc: {  	s7 =	sshll.u32 s7, $0xB;
	s11 =	sadd.s32 $0x2800, s0;
	s5 =	sor.u32 s4, s5  }
0xd: {  	_ =	strace $0x80000047;
	s4 =	ssub.s32 $0x2, s4;
	s6 =	sshll.u32 s5, $0x6  }
0xe: {  	s5 =	sshll.u32 s5, $0x1;
	s22 =	sshrl.u32 s4, $0x1;
	s1 =	sadd.s32 s1, s6  }
0xf: {  	s5 =	sor.u32 s7, s5;
	s18 =	sadd.s32 s2, s6;
	s24 =	ssub.s32 s4, s22  }
0x10: {  	s22 =	simm.s32 $0x4;
	[dreg:$0x5] =	wrdreg s1;
	s19 =	sand.u32 $0x600E, s5  }
0x11: {  	[dreg:$0x6] =	wrdreg s18;
	s18 =	sadd.s32 $0x2000, s0;
	s0 =	smax.u32 s24, $0x1  }
0x12: {  	s24 =	simm.s32 $0x200;
	s20 =	sadd.s32 s3, s19;
	s21 =	sadd.s32 s11, s19  }
0x13: {  	s5 =	sor.u32 $0x800, s19;
	s26 =	sor.u32 $0x1000, s19;
	s1 =	rddreg [dreg:$0x5]  }
0x14: {  	s2 =	sor.u32 $0x1800, s19;
	p1 =	sne.s32 s0, $0x1;
	[dreg:$0x7] =	wrdreg s20  }
0x15: {  	s0 =	sadd.s32 $0xFFFFFFFF, s0;
	s19 =	simm.s32 $0x5;
	[dreg:$0x8] =	wrdreg s21  }
.Ltmp0:
0x16: {  	s23 =	sadd.s32 s3, s5;
	s10 =	sadd.s32 s11, s5;
	(pc) =	sbr.rel @!p1 .LBB2_1-.Ltmp0, $4  }
0x17: {  	s6 =	sadd.s32 s3, s26;
	s7 =	sadd.s32 s11, s26;
	s3 =	sadd.s32 s3, s2  }
0x18: {  	s4 =	sadd.s32 s11, s2;
	s2 =	simm.s32 $0x1;
	s5 =	simm.s32 $0x80  }
0x19: {  	s20 =	simm.s32 $0x400;
	s21 =	simm.s32 $0x2400;
	s11 =	simm.s32 $0x1C00  }
0x1a: {  	s26 =	simm.s32 $0x380;
	[dreg:$0x9] =	wrdreg s23;
	s23 =	simm.s32 $0x3  }
0x1b: {  	[tilespmem:s8], [sflag:$0x1] =	stream.linear.gather [hbm4b:s1+s8], $0x200, $0x38;
	[tilespmem:$0x4400] =	vst v63  }
0x1c: {  	s25 =	smov.u32 s0;
	s0 =	rddreg [dreg:$0x6]  }
0x1d: {  	[tilespmem:s24], [sflag:$0x1] =	stream.linear.gather [hbm4b:s0+s8], $0x200, $0x38;
	[tilespmem:$0x4400] =	vst v63  }
0x1e: {  	_ =	swait.ge [sflag:s2], $0x200  }
0x1f: {  	[sflag:s2] =	ssyncset.done $0x0  }
0x20: {  	[sflag:s2] =	ssyncadd.s32 $0xFFFFFE00  }
0x21: {  	_ =	swait.ge [sflag:s2], $0x200  }
0x22: {  	[sflag:s2] =	ssyncset.done $0x0  }
0x23: {  	[sflag:s2] =	ssyncadd.s32 $0xFFFFFE00  }
0x24: {  	[tilespmem:s20], [sflag:$0x2] =	stream.indirect.gather [hbm4b:s9+s5], $0x10, s8, s5, $0xb8;
	[tilespmem:$0x4400] =	vst v63  }
0x25: {  	_ = 	snop  }
0x26: {  	[tilespmem:s21], [sflag:$0x2] =	stream.indirect.gather [hbm4b:s18+s5], $0x10, s24, s5, $0xb8;
	[tilespmem:$0x4400] =	vst v63  }
0x27: {  	_ = 	snop  }
0x28: {  	[tilespmem:s16], [sflag:$0x3] =	stream.indirect.gather [hbm4b:s9+s5], $0x10, s5, s5, $0xb8;
	[tilespmem:$0x4400] =	vst v63  }
0x29: {  	s1 =	simm.s32 $0x280  }
0x2a: {  	[tilespmem:s17], [sflag:$0x3] =	stream.indirect.gather [hbm4b:s18+s5], $0x10, s1, s5, $0xb8;
	[tilespmem:$0x4400] =	vst v63  }
0x2b: {  	_ = 	snop  }
0x2c: {  	[tilespmem:s12], [sflag:$0x4] =	stream.indirect.gather [hbm4b:s9+s5], $0x10, s28, s5, $0xb8;
	[tilespmem:$0x4400] =	vst v63  }
0x2d: {  	_ = 	snop  }
0x2e: {  	[tilespmem:s14], [sflag:$0x4] =	stream.indirect.gather [hbm4b:s18+s5], $0x10, s30, s5, $0xb8;
	[tilespmem:$0x4400] =	vst v63  }
0x2f: {  	_ = 	snop  }
0x30: {  	[tilespmem:s11], [sflag:$0x5] =	stream.indirect.gather [hbm4b:s9+s5], $0x10, s31, s5, $0xb8;
	[tilespmem:$0x4400] =	vst v63  }
0x31: {  	_ = 	snop  }
0x32: {  	[tilespmem:s13], [sflag:$0x5] =	stream.indirect.gather [hbm4b:s18+s5], $0x10, s26, s5, $0xb8;
	[tilespmem:$0x4400] =	vst v63  }
0x33: {  	_ =	swait.ge [sflag:s29], $0x800  }
0x34: {  	[sflag:s29] =	ssyncset.done $0x0  }
0x35: {  	[sflag:s29] =	ssyncadd.s32 $0xFFFFF800  }
0x36: {  	_ =	swait.ge [sflag:s29], $0x800  }
0x37: {  	[sflag:s29] =	ssyncset.done $0x0  }
0x38: {  	s0 =	rddreg [dreg:$0x7];
	[sflag:s29] =	ssyncadd.s32 $0xFFFFF800  }
0x39: {  	[hbm4b:s0+s15] =	stream.strided.scatter [tilespmem:s20], [sflag:$0x1], $0x800, s5, s15, $0x38;
	[tilespmem:$0x4400] =	vst v63  }
0x3a: {  	s1 =	rddreg [dreg:$0x8]  }
0x3b: {  	[hbm4b:s1+s15] =	stream.strided.scatter [tilespmem:s21], [sflag:$0x1], $0x800, s5, s15, $0x38;
	[tilespmem:$0x4400] =	vst v63  }
0x3c: {  	_ =	swait.ge [sflag:s23], $0x800  }
0x3d: {  	[sflag:s23] =	ssyncset.done $0x0  }
0x3e: {  	[sflag:s23] =	ssyncadd.s32 $0xFFFFF800  }
0x3f: {  	_ =	swait.ge [sflag:s23], $0x800  }
0x40: {  	[sflag:s23] =	ssyncset.done $0x0  }
0x41: {  	s1 =	rddreg [dreg:$0x9];
	[sflag:s23] =	ssyncadd.s32 $0xFFFFF800  }
0x42: {  	[hbm4b:s1+s15] =	stream.strided.scatter [tilespmem:s16], [sflag:$0x1], $0x800, s5, s15, $0x38;
	[tilespmem:$0x4400] =	vst v63  }
0x43: {  	_ = 	snop  }
0x44: {  	[hbm4b:s10+s15] =	stream.strided.scatter [tilespmem:s17], [sflag:$0x1], $0x800, s5, s15, $0x38;
	[tilespmem:$0x4400] =	vst v63  }
0x45: {  	_ =	swait.ge [sflag:s22], $0x800  }
0x46: {  	[sflag:s22] =	ssyncset.done $0x0  }
0x47: {  	[sflag:s22] =	ssyncadd.s32 $0xFFFFF800  }
0x48: {  	_ =	swait.ge [sflag:s22], $0x800  }
0x49: {  	[sflag:s22] =	ssyncset.done $0x0  }
0x4a: {  	[sflag:s22] =	ssyncadd.s32 $0xFFFFF800  }
0x4b: {  	[hbm4b:s6+s15] =	stream.strided.scatter [tilespmem:s12], [sflag:$0x1], $0x800, s5, s15, $0x38;
	[tilespmem:$0x4400] =	vst v63  }
0x4c: {  	_ = 	snop  }
0x4d: {  	[hbm4b:s7+s15] =	stream.strided.scatter [tilespmem:s14], [sflag:$0x1], $0x800, s5, s15, $0x38;
	[tilespmem:$0x4400] =	vst v63  }
0x4e: {  	_ =	swait.ge [sflag:s19], $0x800  }
0x4f: {  	[sflag:s19] =	ssyncset.done $0x0  }
0x50: {  	[sflag:s19] =	ssyncadd.s32 $0xFFFFF800  }
0x51: {  	_ =	swait.ge [sflag:s19], $0x800  }
0x52: {  	[sflag:s19] =	ssyncset.done $0x0  }
0x53: {  	[sflag:s19] =	ssyncadd.s32 $0xFFFFF800  }
0x54: {  	[hbm4b:s3+s15] =	stream.strided.scatter [tilespmem:s11], [sflag:$0x1], $0x800, s5, s15, $0x38;
	[tilespmem:$0x4400] =	vst v63  }
0x55: {  	_ = 	snop  }
0x56: {  	[hbm4b:s4+s15] =	stream.strided.scatter [tilespmem:s13], [sflag:$0x1], $0x800, s5, s15, $0x38;
	[tilespmem:$0x4400] =	vst v63  }
0x57: {  	_ =	swait.ge [sflag:s2], $0x800  }
0x58: {  	[sflag:s2] =	ssyncset.done $0x0  }
0x59: {  	[sflag:s2] =	ssyncadd.s32 $0xFFFFF800  }
0x5a: {  	_ =	swait.ge [sflag:s2], $0x800  }
0x5b: {  	[sflag:s2] =	ssyncset.done $0x0  }
0x5c: {  	[sflag:s2] =	ssyncadd.s32 $0xFFFFF800  }
0x5d: {  	_ =	swait.ge [sflag:s2], $0x800  }
0x5e: {  	[sflag:s2] =	ssyncset.done $0x0  }
0x5f: {  	[sflag:s2] =	ssyncadd.s32 $0xFFFFF800  }
0x60: {  	_ =	swait.ge [sflag:s2], $0x800  }
0x61: {  	[sflag:s2] =	ssyncset.done $0x0  }
0x62: {  	[sflag:s2] =	ssyncadd.s32 $0xFFFFF800  }
0x63: {  	_ =	swait.ge [sflag:s2], $0x800  }
0x64: {  	[sflag:s2] =	ssyncset.done $0x0  }
0x65: {  	[sflag:s2] =	ssyncadd.s32 $0xFFFFF800  }
0x66: {  	_ =	swait.ge [sflag:s2], $0x800  }
0x67: {  	[sflag:s2] =	ssyncset.done $0x0  }
0x68: {  	p1 =	sne.s32 s25, $0x1;
	[sflag:s2] =	ssyncadd.s32 $0xFFFFF800  }
.Ltmp1:
0x69: {  	_ =	swait.ge [sflag:s2], $0x800;
	(pc) =	sbr.rel @!p1 .LBB2_3-.Ltmp1, $4  }
0x6a: {  	[sflag:s2] =	ssyncset.done $0x0  }
0x6b: {  	[sflag:s2] =	ssyncadd.s32 $0xFFFFF800  }
0x6c: {  	p0 =	por $0x1, $0x1;
	_ =	swait.ge [sflag:s2], $0x800  }
0x6d: {  	s0 =	sadd.s32 $0xFFFFFFFF, s25;
	s1 =	rddreg [dreg:$0x5];
	[sflag:s2] =	ssyncset.done $0x0  }
.LBB2_4:
0x6e: {  	[sflag:s2] =	ssyncadd.s32 $0xFFFFF800  }
0x6f: {  	[tilespmem:s8], [sflag:$0x1] =	stream.linear.gather [hbm4b:s1+s8], $0x200, $0x38;
	[tilespmem:$0x4400] =	vst v63  }
0x70: {  	s25 =	rddreg [dreg:$0x6]  }
0x71: {  	[tilespmem:s24], [sflag:$0x1] =	stream.linear.gather [hbm4b:s25+s8], $0x200, $0x38;
	[tilespmem:$0x4400] =	vst v63  }
0x72: {  	_ =	swait.ge [sflag:s2], $0x200  }
0x73: {  	[sflag:s2] =	ssyncset.done $0x0  }
0x74: {  	[sflag:s2] =	ssyncadd.s32 $0xFFFFFE00  }
0x75: {  	_ =	swait.ge [sflag:s2], $0x200  }
0x76: {  	[sflag:s2] =	ssyncset.done $0x0  }
0x77: {  	[sflag:s2] =	ssyncadd.s32 $0xFFFFFE00  }
0x78: {  	[tilespmem:s20], [sflag:$0x2] =	stream.indirect.gather [hbm4b:s9+s5], $0x10, s8, s5, $0xb8;
	[tilespmem:$0x4400] =	vst v63  }
0x79: {  	_ = 	snop  }
0x7a: {  	[tilespmem:s21], [sflag:$0x2] =	stream.indirect.gather [hbm4b:s18+s5], $0x10, s24, s5, $0xb8;
	[tilespmem:$0x4400] =	vst v63  }
0x7b: {  	_ = 	snop  }
0x7c: {  	[tilespmem:s16], [sflag:$0x3] =	stream.indirect.gather [hbm4b:s9+s5], $0x10, s5, s5, $0xb8;
	[tilespmem:$0x4400] =	vst v63  }
0x7d: {  	s25 =	simm.s32 $0x280  }
0x7e: {  	[tilespmem:s17], [sflag:$0x3] =	stream.indirect.gather [hbm4b:s18+s5], $0x10, s25, s5, $0xb8;
	[tilespmem:$0x4400] =	vst v63  }
0x7f: {  	_ = 	snop  }
0x80: {  	[tilespmem:s12], [sflag:$0x4] =	stream.indirect.gather [hbm4b:s9+s5], $0x10, s28, s5, $0xb8;
	[tilespmem:$0x4400] =	vst v63  }
0x81: {  	_ = 	snop  }
0x82: {  	[tilespmem:s14], [sflag:$0x4] =	stream.indirect.gather [hbm4b:s18+s5], $0x10, s30, s5, $0xb8;
	[tilespmem:$0x4400] =	vst v63  }
0x83: {  	_ = 	snop  }
0x84: {  	[tilespmem:s11], [sflag:$0x5] =	stream.indirect.gather [hbm4b:s9+s5], $0x10, s31, s5, $0xb8;
	[tilespmem:$0x4400] =	vst v63  }
0x85: {  	_ = 	snop  }
0x86: {  	[tilespmem:s13], [sflag:$0x5] =	stream.indirect.gather [hbm4b:s18+s5], $0x10, s26, s5, $0xb8;
	[tilespmem:$0x4400] =	vst v63  }
0x87: {  	_ =	swait.ge [sflag:s29], $0x800  }
0x88: {  	[sflag:s29] =	ssyncset.done $0x0  }
0x89: {  	[sflag:s29] =	ssyncadd.s32 $0xFFFFF800  }
0x8a: {  	_ =	swait.ge [sflag:s29], $0x800  }
0x8b: {  	[sflag:s29] =	ssyncset.done $0x0  }
0x8c: {  	s1 =	rddreg [dreg:$0x7];
	[sflag:s29] =	ssyncadd.s32 $0xFFFFF800  }
0x8d: {  	[hbm4b:s1+s15] =	stream.strided.scatter [tilespmem:s20], [sflag:$0x1], $0x800, s5, s15, $0x38;
	[tilespmem:$0x4400] =	vst v63  }
0x8e: {  	s25 =	rddreg [dreg:$0x8]  }
0x8f: {  	[hbm4b:s25+s15] =	stream.strided.scatter [tilespmem:s21], [sflag:$0x1], $0x800, s5, s15, $0x38;
	[tilespmem:$0x4400] =	vst v63  }
0x90: {  	_ =	swait.ge [sflag:s23], $0x800  }
0x91: {  	[sflag:s23] =	ssyncset.done $0x0  }
0x92: {  	[sflag:s23] =	ssyncadd.s32 $0xFFFFF800  }
0x93: {  	_ =	swait.ge [sflag:s23], $0x800  }
0x94: {  	[sflag:s23] =	ssyncset.done $0x0  }
0x95: {  	s25 =	rddreg [dreg:$0x9];
	[sflag:s23] =	ssyncadd.s32 $0xFFFFF800  }
0x96: {  	[hbm4b:s25+s15] =	stream.strided.scatter [tilespmem:s16], [sflag:$0x1], $0x800, s5, s15, $0x38;
	[tilespmem:$0x4400] =	vst v63  }
0x97: {  	_ = 	snop  }
0x98: {  	[hbm4b:s10+s15] =	stream.strided.scatter [tilespmem:s17], [sflag:$0x1], $0x800, s5, s15, $0x38;
	[tilespmem:$0x4400] =	vst v63  }
0x99: {  	_ =	swait.ge [sflag:s22], $0x800  }
0x9a: {  	[sflag:s22] =	ssyncset.done $0x0  }
0x9b: {  	[sflag:s22] =	ssyncadd.s32 $0xFFFFF800  }
0x9c: {  	_ =	swait.ge [sflag:s22], $0x800  }
0x9d: {  	[sflag:s22] =	ssyncset.done $0x0  }
0x9e: {  	[sflag:s22] =	ssyncadd.s32 $0xFFFFF800  }
0x9f: {  	[hbm4b:s6+s15] =	stream.strided.scatter [tilespmem:s12], [sflag:$0x1], $0x800, s5, s15, $0x38;
	[tilespmem:$0x4400] =	vst v63  }
0xa0: {  	_ = 	snop  }
0xa1: {  	[hbm4b:s7+s15] =	stream.strided.scatter [tilespmem:s14], [sflag:$0x1], $0x800, s5, s15, $0x38;
	[tilespmem:$0x4400] =	vst v63  }
0xa2: {  	_ =	swait.ge [sflag:s19], $0x800  }
0xa3: {  	[sflag:s19] =	ssyncset.done $0x0  }
0xa4: {  	[sflag:s19] =	ssyncadd.s32 $0xFFFFF800  }
0xa5: {  	_ =	swait.ge [sflag:s19], $0x800  }
0xa6: {  	[sflag:s19] =	ssyncset.done $0x0  }
0xa7: {  	[sflag:s19] =	ssyncadd.s32 $0xFFFFF800  }
0xa8: {  	[hbm4b:s3+s15] =	stream.strided.scatter [tilespmem:s11], [sflag:$0x1], $0x800, s5, s15, $0x38;
	[tilespmem:$0x4400] =	vst v63  }
0xa9: {  	_ = 	snop  }
0xaa: {  	[hbm4b:s4+s15] =	stream.strided.scatter [tilespmem:s13], [sflag:$0x1], $0x800, s5, s15, $0x38;
	[tilespmem:$0x4400] =	vst v63  }
0xab: {  	_ =	swait.ge [sflag:s2], $0x800  }
0xac: {  	[sflag:s2] =	ssyncset.done $0x0  }
0xad: {  	[sflag:s2] =	ssyncadd.s32 $0xFFFFF800  }
0xae: {  	_ =	swait.ge [sflag:s2], $0x800  }
0xaf: {  	[sflag:s2] =	ssyncset.done $0x0  }
0xb0: {  	[sflag:s2] =	ssyncadd.s32 $0xFFFFF800  }
0xb1: {  	_ =	swait.ge [sflag:s2], $0x800  }
0xb2: {  	[sflag:s2] =	ssyncset.done $0x0  }
0xb3: {  	[sflag:s2] =	ssyncadd.s32 $0xFFFFF800  }
0xb4: {  	_ =	swait.ge [sflag:s2], $0x800  }
0xb5: {  	[sflag:s2] =	ssyncset.done $0x0  }
0xb6: {  	[sflag:s2] =	ssyncadd.s32 $0xFFFFF800  }
0xb7: {  	_ =	swait.ge [sflag:s2], $0x800  }
0xb8: {  	[sflag:s2] =	ssyncset.done $0x0  }
0xb9: {  	[sflag:s2] =	ssyncadd.s32 $0xFFFFF800  }
0xba: {  	_ =	swait.ge [sflag:s2], $0x800  }
0xbb: {  	[sflag:s2] =	ssyncset.done $0x0  }
0xbc: {  	p1 =	sne.s32 s0, $0x1;
	[sflag:s2] =	ssyncadd.s32 $0xFFFFF800  }
.Ltmp2:
0xbd: {  	_ =	swait.ge [sflag:s2], $0x800;
	(pc) =	sbr.rel @p1 .LBB2_4-.Ltmp2, $4  }
0xbe: {  	[sflag:s2] =	ssyncset.done $0x0  }
0xbf: {  	[sflag:s2] =	ssyncadd.s32 $0xFFFFF800  }
0xc0: {  	_ =	swait.ge [sflag:s2], $0x800  }
0xc1: {  	s0 =	sadd.s32 $0xFFFFFFFF, s0;
	s1 =	rddreg [dreg:$0x5];
	[sflag:s2] =	ssyncset.done $0x0  }
0xc2: {  	s31 =	simm.s32 $0x180;
	s30 =	simm.s32 $0x300  }
0xc3: {  	s28 =	simm.s32 $0x100;
	s26 =	simm.s32 $0x280;
	s25 =	rddreg [dreg:$0x4]  }
.LBB2_6:
0xc4: {  	[sflag:s2] =	ssyncadd.s32 @p0 $0xFFFFF800  }
0xc5: {  	[tilespmem:s8], [sflag:$0x1] =	stream.linear.gather [hbm4b:s1+s8], $0x200, $0x38;
	[tilespmem:$0x4400] =	vst v63  }
0xc6: {  	s0 =	rddreg [dreg:$0x6]  }
0xc7: {  	[tilespmem:s24], [sflag:$0x1] =	stream.linear.gather [hbm4b:s0+s8], $0x200, $0x38;
	[tilespmem:$0x4400] =	vst v63  }
0xc8: {  	_ =	swait.ge [sflag:s2], $0x200  }
0xc9: {  	[sflag:s2] =	ssyncset.done $0x0  }
0xca: {  	[sflag:s2] =	ssyncadd.s32 $0xFFFFFE00  }
0xcb: {  	_ =	swait.ge [sflag:s2], $0x200  }
0xcc: {  	[sflag:s2] =	ssyncset.done $0x0  }
0xcd: {  	[sflag:s2] =	ssyncadd.s32 $0xFFFFFE00  }
0xce: {  	[tilespmem:s20], [sflag:$0x2] =	stream.indirect.gather [hbm4b:s9+s5], $0x10, s8, s5, $0xb8;
	[tilespmem:$0x4400] =	vst v63  }
0xcf: {  	_ = 	snop  }
0xd0: {  	[tilespmem:s21], [sflag:$0x2] =	stream.indirect.gather [hbm4b:s18+s5], $0x10, s24, s5, $0xb8;
	[tilespmem:$0x4400] =	vst v63  }
0xd1: {  	_ = 	snop  }
0xd2: {  	[tilespmem:s16], [sflag:$0x3] =	stream.indirect.gather [hbm4b:s9+s5], $0x10, s5, s5, $0xb8;
	[tilespmem:$0x4400] =	vst v63  }
0xd3: {  	_ = 	snop  }
0xd4: {  	[tilespmem:s17], [sflag:$0x3] =	stream.indirect.gather [hbm4b:s18+s5], $0x10, s26, s5, $0xb8;
	[tilespmem:$0x4400] =	vst v63  }
0xd5: {  	_ = 	snop  }
0xd6: {  	[tilespmem:s12], [sflag:$0x4] =	stream.indirect.gather [hbm4b:s9+s5], $0x10, s28, s5, $0xb8;
	[tilespmem:$0x4400] =	vst v63  }
0xd7: {  	_ = 	snop  }
0xd8: {  	[tilespmem:s14], [sflag:$0x4] =	stream.indirect.gather [hbm4b:s18+s5], $0x10, s30, s5, $0xb8;
	[tilespmem:$0x4400] =	vst v63  }
0xd9: {  	_ = 	snop  }
0xda: {  	[tilespmem:s11], [sflag:$0x5] =	stream.indirect.gather [hbm4b:s9+s5], $0x10, s31, s5, $0xb8;
	[tilespmem:$0x4400] =	vst v63  }
0xdb: {  	s26 =	simm.s32 $0x380  }
0xdc: {  	[tilespmem:s13], [sflag:$0x5] =	stream.indirect.gather [hbm4b:s18+s5], $0x10, s26, s5, $0xb8;
	[tilespmem:$0x4400] =	vst v63  }
0xdd: {  	_ =	swait.ge [sflag:s29], $0x800  }
0xde: {  	[sflag:s29] =	ssyncset.done $0x0  }
0xdf: {  	[sflag:s29] =	ssyncadd.s32 $0xFFFFF800  }
0xe0: {  	_ =	swait.ge [sflag:s29], $0x800  }
0xe1: {  	[sflag:s29] =	ssyncset.done $0x0  }
0xe2: {  	s28 =	rddreg [dreg:$0x7];
	[sflag:s29] =	ssyncadd.s32 $0xFFFFF800  }
0xe3: {  	[hbm4b:s28+s15] =	stream.strided.scatter [tilespmem:s20], [sflag:$0x1], $0x800, s5, s15, $0x38;
	[tilespmem:$0x4400] =	vst v63  }
0xe4: {  	s29 =	rddreg [dreg:$0x8]  }
0xe5: {  	[hbm4b:s29+s15] =	stream.strided.scatter [tilespmem:s21], [sflag:$0x1], $0x800, s5, s15, $0x38;
	[tilespmem:$0x4400] =	vst v63  }
0xe6: {  	_ =	swait.ge [sflag:s23], $0x800  }
0xe7: {  	[sflag:s23] =	ssyncset.done $0x0  }
0xe8: {  	[sflag:s23] =	ssyncadd.s32 $0xFFFFF800  }
0xe9: {  	_ =	swait.ge [sflag:s23], $0x800  }
0xea: {  	[sflag:s23] =	ssyncset.done $0x0  }
0xeb: {  	s30 =	rddreg [dreg:$0x9];
	[sflag:s23] =	ssyncadd.s32 $0xFFFFF800  }
0xec: {  	[hbm4b:s30+s15] =	stream.strided.scatter [tilespmem:s16], [sflag:$0x1], $0x800, s5, s15, $0x38;
	[tilespmem:$0x4400] =	vst v63  }
0xed: {  	_ = 	snop  }
0xee: {  	[hbm4b:s10+s15] =	stream.strided.scatter [tilespmem:s17], [sflag:$0x1], $0x800, s5, s15, $0x38;
	[tilespmem:$0x4400] =	vst v63  }
0xef: {  	_ =	swait.ge [sflag:s22], $0x800  }
0xf0: {  	[sflag:s22] =	ssyncset.done $0x0  }
0xf1: {  	[sflag:s22] =	ssyncadd.s32 $0xFFFFF800  }
0xf2: {  	_ =	swait.ge [sflag:s22], $0x800  }
0xf3: {  	[sflag:s22] =	ssyncset.done $0x0  }
0xf4: {  	[sflag:s22] =	ssyncadd.s32 $0xFFFFF800  }
0xf5: {  	[hbm4b:s6+s15] =	stream.strided.scatter [tilespmem:s12], [sflag:$0x1], $0x800, s5, s15, $0x38;
	[tilespmem:$0x4400] =	vst v63  }
0xf6: {  	_ = 	snop  }
0xf7: {  	[hbm4b:s7+s15] =	stream.strided.scatter [tilespmem:s14], [sflag:$0x1], $0x800, s5, s15, $0x38;
	[tilespmem:$0x4400] =	vst v63  }
0xf8: {  	_ =	swait.ge [sflag:s19], $0x800  }
0xf9: {  	[sflag:s19] =	ssyncset.done $0x0  }
0xfa: {  	[sflag:s19] =	ssyncadd.s32 $0xFFFFF800  }
0xfb: {  	_ =	swait.ge [sflag:s19], $0x800  }
0xfc: {  	[sflag:s19] =	ssyncset.done $0x0  }
0xfd: {  	[sflag:s19] =	ssyncadd.s32 $0xFFFFF800  }
0xfe: {  	[hbm4b:s3+s15] =	stream.strided.scatter [tilespmem:s11], [sflag:$0x1], $0x800, s5, s15, $0x38;
	[tilespmem:$0x4400] =	vst v63  }
0xff: {  	_ = 	snop  }
0x100: {  	[hbm4b:s4+s15] =	stream.strided.scatter [tilespmem:s13], [sflag:$0x1], $0x800, s5, s15, $0x38;
	[tilespmem:$0x4400] =	vst v63  }
0x101: {  	_ =	swait.ge [sflag:s2], $0x800  }
0x102: {  	[sflag:s2] =	ssyncset.done $0x0  }
0x103: {  	[sflag:s2] =	ssyncadd.s32 $0xFFFFF800  }
0x104: {  	_ =	swait.ge [sflag:s2], $0x800  }
0x105: {  	[sflag:s2] =	ssyncset.done $0x0  }
0x106: {  	[sflag:s2] =	ssyncadd.s32 $0xFFFFF800  }
0x107: {  	_ =	swait.ge [sflag:s2], $0x800  }
0x108: {  	[sflag:s2] =	ssyncset.done $0x0  }
0x109: {  	[sflag:s2] =	ssyncadd.s32 $0xFFFFF800  }
0x10a: {  	_ =	swait.ge [sflag:s2], $0x800  }
0x10b: {  	[sflag:s2] =	ssyncset.done $0x0  }
0x10c: {  	[sflag:s2] =	ssyncadd.s32 $0xFFFFF800  }
0x10d: {  	_ =	swait.ge [sflag:s2], $0x800  }
0x10e: {  	[sflag:s2] =	ssyncset.done $0x0  }
0x10f: {  	[sflag:s2] =	ssyncadd.s32 $0xFFFFF800  }
0x110: {  	_ =	swait.ge [sflag:s2], $0x800  }
0x111: {  	[sflag:s2] =	ssyncset.done $0x0  }
0x112: {  	[sflag:s2] =	ssyncadd.s32 $0xFFFFF800  }
0x113: {  	_ =	swait.ge [sflag:s2], $0x800  }
0x114: {  	[sflag:s2] =	ssyncset.done $0x0  }
0x115: {  	[sflag:s2] =	ssyncadd.s32 $0xFFFFF800  }
0x116: {  	_ =	swait.ge [sflag:s2], $0x800  }
0x117: {  	[sflag:s2] =	ssyncset.done $0x0  }
0x118: {  	[sflag:s2] =	ssyncadd.s32 $0xFFFFF800  }
0x119: {  	_ =	sfence.sel $0x180000  }
0x11a: {  	s31 =	stileid.u32;
	[bflag:$0x0] =	sbarrier.arrive $0xFFFF  }
0x11b: {  	p0 =	sne.s32 s31, $0x0;
	_ =	strace $0x90000047  }
0x11c: {  	s0 =	sadd.s32 @!p0 $0x100000, s25;
	[bflag:$0x2] =	sbarrier.arrive $0xFFFF  }
0x11d: {  	[sflag:s0] =	ssyncadd.tile.s32 @!p0 $0x1;
	_ =	shalt  }
.LBB2_1:
.Ltmp3:
0x11e: {  	(pc) =	sbr.rel .LBB2_6-.Ltmp3, $3  }
0x11f: {  	_ =	sdelay $0x1  }
0x120: {  	s31 =	simm.s32 $0x180  }
0x121: {  	s30 =	simm.s32 $0x300;
	s28 =	simm.s32 $0x100;
	s26 =	simm.s32 $0x280  }
.LBB2_3:
.Ltmp4:
0x122: {  	(pc) =	sbr.rel .LBB2_6-.Ltmp4, $3  }
0x123: {  	_ =	sdelay $0x1  }
0x124: {  	s31 =	simm.s32 $0x180;
	s30 =	simm.s32 $0x300  }
0x125: {  	s28 =	simm.s32 $0x100;
	s26 =	simm.s32 $0x280;
	s25 =	rddreg [dreg:$0x4]  }
.Lfunc_end2:
_tile_overlayer_lowered:
.L_overlay_start_2:
0x126: {  	(tag) =	ssettag $0x2  }
0x127: {  	s0 =	rddreg [dreg:$0x0];
	s2 =	stileid.u32  }
0x128: {  	s1 =	rddreg [dreg:$0x1];
	p0 =	sne.s32 s2, $0x0  }
0x129: {  	s3 =	rddreg [dreg:$0x2];
	[bflag:$0x3] =	sbarrier.arrive $0xFFFF;
	s2 =	simm.s32 @!p0 $0x1C06  }
0x12a: {  	[timem:s3], [sflag:s2] =	dma.local @!p0 [hbm:s0], s1  }
0x12b: {  	s0 =	simm.s32 @!p0 $0x6  }
0x12c: {  	_ =	swait.ge @!p0 [sflag:s0], s1  }
0x12d: {  	s1 =	ssub.s32 @!p0 $0x0, s1;
	[sflag:s0] =	ssyncset.done @!p0 $0x0  }
0x12e: {  	[sflag:s0] =	ssyncadd.s32 @!p0 s1  }
0x12f: {  	[bflag:$0x3] =	sbarrier.arrive $0xFFFF  }
0x130: {  	_ =	shalt  }

</sc_bundles>
